<compile_context>
chip_gen: v7x
topology: tpu7x:2x2x1
jax: 0.10.2.dev20260603
libtpu: 0.0.44.dev20260713+nightly
codegen_flags: <defaults>
</compile_context>

<pallas_src>
import functools

import jax
import jax.numpy as jnp
from jax import lax
from jax.experimental import pallas as pl
from jax.experimental.pallas import tpu as pltpu
from jax.experimental.pallas import tpu_sc as plsc

_N = 10000
_E = 320000
_D = 128
_H = 256
_C = 40
_QW = 48

_NC = 2
_NS = 16
_NW = _NC * _NS
_EPW = _E // _NW
_CHUNK = 125
_NCHUNK = _EPW // _CHUNK
_NP = 10240
_RPS = _NP // _NS

_MESH = plsc.VectorSubcoreMesh(core_axis_name="c", subcore_axis_name="s")


def _sc_segsum(x, src, dst, zeros, width):

    @functools.partial(
        pl.kernel,
        mesh=_MESH,
        out_type=jax.ShapeDtypeStruct((_NC, _NP, width), jnp.float32),
        compiler_params=pltpu.CompilerParams(use_tc_tiling_on_sc=False),
        scratch_types=[
            pltpu.VMEM((_NCHUNK, _CHUNK), jnp.int32),
            pltpu.VMEM((_NCHUNK, _CHUNK), jnp.int32),
            pltpu.VMEM((_CHUNK, width), jnp.float32),
            pltpu.VMEM_SHARED((_NP, width), jnp.float32),
        ],
    )
    def k(x_hbm, src_hbm, dst_hbm, z_hbm, acc_out, src_v, dst_v, rows_v, acc_sh):
        c = lax.axis_index("c")
        s = lax.axis_index("s")
        wid = c * _NS + s
        rs = pl.ds(s * _RPS, _RPS)
        pltpu.sync_copy(z_hbm.at[rs], acc_sh.at[rs])
        pltpu.sync_copy(src_hbm.at[wid], src_v)
        pltpu.sync_copy(dst_hbm.at[wid], dst_v)
        plsc.subcore_barrier()

        @pl.loop(0, _NCHUNK)
        def _(j):
            pltpu.sync_copy(x_hbm.at[src_v.at[j]], rows_v)
            pltpu.sync_copy(rows_v, acc_sh.at[dst_v.at[j]], add=True)

        plsc.subcore_barrier()
        pltpu.sync_copy(acc_sh.at[rs], acc_out.at[c].at[rs])

    return k(x, src, dst, zeros)


def _sc_deg(dst, zeros_deg, ones):

    @functools.partial(
        pl.kernel,
        mesh=_MESH,
        out_type=jax.ShapeDtypeStruct((_NC, _NP, 16), jnp.float32),
        compiler_params=pltpu.CompilerParams(use_tc_tiling_on_sc=False),
        scratch_types=[
            pltpu.VMEM((_NCHUNK, _CHUNK), jnp.int32),
            pltpu.VMEM((_CHUNK, 16), jnp.float32),
            pltpu.VMEM_SHARED((_NP, 16), jnp.float32),
        ],
    )
    def k(dst_hbm, z_hbm, ones_hbm, deg_out, dst_v, ones_v, deg_sh):
        c = lax.axis_index("c")
        s = lax.axis_index("s")
        wid = c * _NS + s
        rs = pl.ds(s * _RPS, _RPS)
        pltpu.sync_copy(z_hbm.at[rs], deg_sh.at[rs])
        pltpu.sync_copy(ones_hbm, ones_v)
        pltpu.sync_copy(dst_hbm.at[wid], dst_v)
        plsc.subcore_barrier()

        @pl.loop(0, _NCHUNK)
        def _(j):
            pltpu.sync_copy(ones_v, deg_sh.at[dst_v.at[j]], add=True)

        plsc.subcore_barrier()
        pltpu.sync_copy(deg_sh.at[rs], deg_out.at[c].at[rs])

    return k(dst, zeros_deg, ones)


_BLK = 1000


def _tc_layer1(x, p, dg, w1r, w1n, b1, w2n_pad, w2r):

    def body(x_ref, p_ref, d_ref, w1r_ref, w1n_ref, b1_ref, w2n_ref, w2r_ref,
             q_ref, r_ref):
        deg = jnp.maximum(d_ref[0, :, 0:1] + d_ref[1, :, 0:1], 1.0)
        mean = (p_ref[0] + p_ref[1]) / deg
        h = jnp.maximum(
            jnp.dot(x_ref[...], w1r_ref[...], preferred_element_type=jnp.float32)
            + jnp.dot(mean, w1n_ref[...], preferred_element_type=jnp.float32)
            + b1_ref[...],
            0.0,
        )
        q_ref[...] = jnp.dot(h, w2n_ref[...], preferred_element_type=jnp.float32)
        r_ref[...] = jnp.dot(h, w2r_ref[...], preferred_element_type=jnp.float32)

    return pl.pallas_call(
        body,
        grid=(_N // _BLK,),
        in_specs=[
            pl.BlockSpec((_BLK, _D), lambda i: (i, 0)),
            pl.BlockSpec((_NC, _BLK, _D), lambda i: (0, i, 0)),
            pl.BlockSpec((_NC, _BLK, 16), lambda i: (0, i, 0)),
            pl.BlockSpec((_D, _H), lambda i: (0, 0)),
            pl.BlockSpec((_D, _H), lambda i: (0, 0)),
            pl.BlockSpec((1, _H), lambda i: (0, 0)),
            pl.BlockSpec((_H, _QW), lambda i: (0, 0)),
            pl.BlockSpec((_H, _C), lambda i: (0, 0)),
        ],
        out_specs=[
            pl.BlockSpec((_BLK, _QW), lambda i: (i, 0)),
            pl.BlockSpec((_BLK, _C), lambda i: (i, 0)),
        ],
        out_shape=[
            jax.ShapeDtypeStruct((_N, _QW), jnp.float32),
            jax.ShapeDtypeStruct((_N, _C), jnp.float32),
        ],
    )(x, p, dg, w1r, w1n, b1, w2n_pad, w2r)


def _tc_layer2(r, s2, dg, b2):

    def body(r_ref, s_ref, d_ref, b2_ref, o_ref):
        deg = jnp.maximum(d_ref[0, :, 0:1] + d_ref[1, :, 0:1], 1.0)
        mean = (s_ref[0, :, :_C] + s_ref[1, :, :_C]) / deg
        o_ref[...] = r_ref[...] + mean + b2_ref[...]

    return pl.pallas_call(
        body,
        grid=(_N // _BLK,),
        in_specs=[
            pl.BlockSpec((_BLK, _C), lambda i: (i, 0)),
            pl.BlockSpec((_NC, _BLK, _QW), lambda i: (0, i, 0)),
            pl.BlockSpec((_NC, _BLK, 16), lambda i: (0, i, 0)),
            pl.BlockSpec((1, _C), lambda i: (0, 0)),
        ],
        out_specs=pl.BlockSpec((_BLK, _C), lambda i: (i, 0)),
        out_shape=jax.ShapeDtypeStruct((_N, _C), jnp.float32),
    )(r, s2, dg, b2)


def kernel(x, edge_index, W1_root, W1_neigh, b1, W2_root, W2_neigh, b2):
    src = edge_index[0].reshape(_NW, _NCHUNK, _CHUNK)
    dst = edge_index[1].reshape(_NW, _NCHUNK, _CHUNK)
    zeros_main = jnp.zeros((_NP, _D), jnp.float32)
    zeros_deg = jnp.zeros((_NP, 16), jnp.float32)
    zeros_q = jnp.zeros((_NP, _QW), jnp.float32)
    ones = jnp.ones((_CHUNK, 16), jnp.float32)

    dg = _sc_deg(dst, zeros_deg, ones)
    p1 = _sc_segsum(x, src, dst, zeros_main, _D)
    q, r = _tc_layer1(
        x, p1, dg, W1_root, W1_neigh, b1.reshape(1, _H),
        jnp.pad(W2_neigh, ((0, 0), (0, _QW - _C))), W2_root,
    )
    p2 = _sc_segsum(q, src, dst, zeros_q, _QW)
    out = _tc_layer2(r, p2, dg, b2.reshape(1, _C))
    return out

# --- scband reference (transcript-rebuilt; emitter-appended) ---
"""Pipeline reference for scband-graph-sampling-65635690217858 (READ-ONLY COPY).

The authoritative reference and input builder live on the scoring server;
editing this copy changes nothing except your own understanding.
"""

import jax, jax.numpy as jnp
import numpy as np

N = 10000
E = 320000
D = 128
H = 256
C = 40


def setup_inputs(seed: int = 0) -> dict:
    key = jax.random.key(seed)
    ks = jax.random.split(key, 8)
    x = jax.random.normal(ks[0], (N, D), dtype=jnp.float32)
    edge_index = jax.random.randint(ks[1], (2, E), 0, N, dtype=jnp.int32)
    W1_root = jax.random.normal(ks[2], (D, H), dtype=jnp.float32) * (1.0 / np.sqrt(D))
    W1_neigh = jax.random.normal(ks[3], (D, H), dtype=jnp.float32) * (1.0 / np.sqrt(D))
    b1 = jnp.zeros((H,), dtype=jnp.float32)
    W2_root = jax.random.normal(ks[4], (H, C), dtype=jnp.float32) * (1.0 / np.sqrt(H))
    W2_neigh = jax.random.normal(ks[5], (H, C), dtype=jnp.float32) * (1.0 / np.sqrt(H))
    b2 = jnp.zeros((C,), dtype=jnp.float32)
    return {
        "x": x,
        "edge_index": edge_index,
        "W1_root": W1_root,
        "W1_neigh": W1_neigh,
        "b1": b1,
        "W2_root": W2_root,
        "W2_neigh": W2_neigh,
        "b2": b2,
    }


def _sage_conv(h, src, dst, W_root, W_neigh, b):
    # SAGEConv with mean aggregation: gather messages from src, scatter-mean to dst.
    n = h.shape[0]
    msgs = jnp.take(h, src, axis=0)                      # gather  [E, d]
    agg = jax.ops.segment_sum(msgs, dst, num_segments=n)  # scatter-add [N, d]
    deg = jax.ops.segment_sum(jnp.ones((src.shape[0],), dtype=h.dtype), dst, num_segments=n)
    mean = agg / jnp.maximum(deg, 1.0)[:, None]
    return h @ W_root + mean @ W_neigh + b


def reference(x, edge_index, W1_root, W1_neigh, b1, W2_root, W2_neigh, b2):
    # Faithful full-graph translation of _GraphSampling.inference:
    # layer-wise propagation over all nodes, ReLU between conv layers,
    # no activation after the final layer. Dropout inactive (eval mode).
    src = edge_index[0]
    dst = edge_index[1]
    h = _sage_conv(x, src, dst, W1_root, W1_neigh, b1)
    h = jax.nn.relu(h)
    out = _sage_conv(h, src, dst, W2_root, W2_neigh, b2)
    return out

if __name__ == "__main__":
    import jax
    _d = setup_inputs()
    print(jax.jit(kernel)(*tuple(_d.values())))

</pallas_src>

<mosaic_0001>
#map = affine_map<(d0, d1) -> (0, 0)>
#map1 = affine_map<(d0, d1) -> (0, 0, 0)>
module attributes {stable_mosaic.version = 14 : i64} {
  func.func @k(%arg0: i32, %arg1: i32, %arg2: memref<10000x128xf32, #tpu.memory_space<hbm>>, %arg3: memref<32x80x125xi32, #tpu.memory_space<hbm>>, %arg4: memref<32x80x125xi32, #tpu.memory_space<hbm>>, %arg5: memref<10240x128xf32, #tpu.memory_space<hbm>>, %arg6: memref<2x10240x128xf32, #tpu.memory_space<hbm>>, %arg7: memref<80x125xi32, #tpu.memory_space<vmem>>, %arg8: memref<80x125xi32, #tpu.memory_space<vmem>>, %arg9: memref<125x128xf32, #tpu.memory_space<vmem>>, %arg10: memref<10240x128xf32, #tpu.memory_space<vmem_shared>>) attributes {dimension_semantics = [#tpu.dimension_semantics<core_parallel>, #tpu.dimension_semantics<subcore_parallel>], iteration_bounds = array<i64: 2, 16>, scalar_prefetch = 0 : i64, scratch_operands = 4 : i64, tpu.core_type = #tpu.core_type<sc_vector_subcore>, window_params = [{transform_indices = #map}, {transform_indices = #map1}, {transform_indices = #map1}, {transform_indices = #map}, {transform_indices = #map1}]} {
    %mul3A = arith.constant 16 : i32
    %mul3A_0 = arith.muli %arg0, %mul3A : i32
    %add3A = arith.addi %mul3A_0, %arg1 : i32
    %mul3A_1 = arith.constant 640 : i32
    %mul3A_2 = arith.muli %arg1, %mul3A_1 : i32
    "tpu.region"() ({
      %run_scoped3A = tpu.sem_alloc : memref<!tpu.dma_semaphore, #tpu.memory_space<semaphore_mem>>
      %dma_start3A = arith.constant 0 : i32
      %dma_start3A_8 = tpu.memref_slice %arg10[%mul3A_2, %dma_start3A] : memref<10240x128xf32, #tpu.memory_space<vmem_shared>> -> memref<640x128xf32, #tpu.memory_space<vmem_shared>>
      %dma_start3A_9 = arith.constant 0 : i32
      %dma_start3A_10 = tpu.memref_slice %arg5[%mul3A_2, %dma_start3A_9] : memref<10240x128xf32, #tpu.memory_space<hbm>> -> memref<640x128xf32, #tpu.memory_space<hbm>>
      tpu.enqueue_dma source(%dma_start3A_10 : memref<640x128xf32, #tpu.memory_space<hbm>>) target(%dma_start3A_8 : memref<640x128xf32, #tpu.memory_space<vmem_shared>>) target_semaphore(%run_scoped3A : memref<!tpu.dma_semaphore, #tpu.memory_space<semaphore_mem>>)
      %dma_wait3A = arith.constant 0 : i32
      %dma_wait3A_11 = tpu.memref_slice %arg10[%mul3A_2, %dma_wait3A] : memref<10240x128xf32, #tpu.memory_space<vmem_shared>> -> memref<640x128xf32, #tpu.memory_space<vmem_shared>>
      %dma_wait3A_12 = arith.constant 0 : i32
      %dma_wait3A_13 = tpu.memref_slice %arg5[%mul3A_2, %dma_wait3A_12] : memref<10240x128xf32, #tpu.memory_space<hbm>> -> memref<640x128xf32, #tpu.memory_space<hbm>>
      tpu.wait_dma2 semaphore(%run_scoped3A : memref<!tpu.dma_semaphore, #tpu.memory_space<semaphore_mem>>) src(%dma_wait3A_13 : memref<640x128xf32, #tpu.memory_space<hbm>>) dst(%dma_wait3A_11 : memref<640x128xf32, #tpu.memory_space<vmem_shared>>)
      tpu.yield
    }) : () -> ()
    "tpu.region"() ({
      %run_scoped3A = tpu.sem_alloc : memref<!tpu.dma_semaphore, #tpu.memory_space<semaphore_mem>>
      %dma_start3A = arith.constant 0 : i32
      %dma_start3A_8 = arith.constant 0 : i32
      %dma_start3A_9 = tpu.memref_slice %arg3[%add3A, %dma_start3A, %dma_start3A_8] : memref<32x80x125xi32, #tpu.memory_space<hbm>> -> memref<1x80x125xi32, #tpu.memory_space<hbm>>
      %dma_start3A_10 = tpu.memref_squeeze %dma_start3A_9 : memref<1x80x125xi32, #tpu.memory_space<hbm>> -> memref<80x125xi32, #tpu.memory_space<hbm>>
      %dma_start3A_11 = arith.constant 0 : i32
      %dma_start3A_12 = arith.constant 0 : i32
      %dma_start3A_13 = tpu.memref_slice %arg3[%add3A, %dma_start3A_11, %dma_start3A_12] : memref<32x80x125xi32, #tpu.memory_space<hbm>> -> memref<1x80x125xi32, #tpu.memory_space<hbm>>
      %dma_start3A_14 = tpu.memref_squeeze %dma_start3A_13 : memref<1x80x125xi32, #tpu.memory_space<hbm>> -> memref<80x125xi32, #tpu.memory_space<hbm>>
      tpu.enqueue_dma source(%dma_start3A_14 : memref<80x125xi32, #tpu.memory_space<hbm>>) target(%arg7 : memref<80x125xi32, #tpu.memory_space<vmem>>) target_semaphore(%run_scoped3A : memref<!tpu.dma_semaphore, #tpu.memory_space<semaphore_mem>>)
      %dma_wait3A = arith.constant 0 : i32
      %dma_wait3A_15 = arith.constant 0 : i32
      %dma_wait3A_16 = tpu.memref_slice %arg3[%add3A, %dma_wait3A, %dma_wait3A_15] : memref<32x80x125xi32, #tpu.memory_space<hbm>> -> memref<1x80x125xi32, #tpu.memory_space<hbm>>
      %dma_wait3A_17 = tpu.memref_squeeze %dma_wait3A_16 : memref<1x80x125xi32, #tpu.memory_space<hbm>> -> memref<80x125xi32, #tpu.memory_space<hbm>>
      %dma_wait3A_18 = arith.constant 0 : i32
      %dma_wait3A_19 = arith.constant 0 : i32
      %dma_wait3A_20 = tpu.memref_slice %arg3[%add3A, %dma_wait3A_18, %dma_wait3A_19] : memref<32x80x125xi32, #tpu.memory_space<hbm>> -> memref<1x80x125xi32, #tpu.memory_space<hbm>>
      %dma_wait3A_21 = tpu.memref_squeeze %dma_wait3A_20 : memref<1x80x125xi32, #tpu.memory_space<hbm>> -> memref<80x125xi32, #tpu.memory_space<hbm>>
      tpu.wait_dma2 semaphore(%run_scoped3A : memref<!tpu.dma_semaphore, #tpu.memory_space<semaphore_mem>>) src(%dma_wait3A_21 : memref<80x125xi32, #tpu.memory_space<hbm>>) dst(%arg7 : memref<80x125xi32, #tpu.memory_space<vmem>>)
      tpu.yield
    }) : () -> ()
    "tpu.region"() ({
      %run_scoped3A = tpu.sem_alloc : memref<!tpu.dma_semaphore, #tpu.memory_space<semaphore_mem>>
      %dma_start3A = arith.constant 0 : i32
      %dma_start3A_8 = arith.constant 0 : i32
      %dma_start3A_9 = tpu.memref_slice %arg4[%add3A, %dma_start3A, %dma_start3A_8] : memref<32x80x125xi32, #tpu.memory_space<hbm>> -> memref<1x80x125xi32, #tpu.memory_space<hbm>>
      %dma_start3A_10 = tpu.memref_squeeze %dma_start3A_9 : memref<1x80x125xi32, #tpu.memory_space<hbm>> -> memref<80x125xi32, #tpu.memory_space<hbm>>
      %dma_start3A_11 = arith.constant 0 : i32
      %dma_start3A_12 = arith.constant 0 : i32
      %dma_start3A_13 = tpu.memref_slice %arg4[%add3A, %dma_start3A_11, %dma_start3A_12] : memref<32x80x125xi32, #tpu.memory_space<hbm>> -> memref<1x80x125xi32, #tpu.memory_space<hbm>>
      %dma_start3A_14 = tpu.memref_squeeze %dma_start3A_13 : memref<1x80x125xi32, #tpu.memory_space<hbm>> -> memref<80x125xi32, #tpu.memory_space<hbm>>
      tpu.enqueue_dma source(%dma_start3A_14 : memref<80x125xi32, #tpu.memory_space<hbm>>) target(%arg8 : memref<80x125xi32, #tpu.memory_space<vmem>>) target_semaphore(%run_scoped3A : memref<!tpu.dma_semaphore, #tpu.memory_space<semaphore_mem>>)
      %dma_wait3A = arith.constant 0 : i32
      %dma_wait3A_15 = arith.constant 0 : i32
      %dma_wait3A_16 = tpu.memref_slice %arg4[%add3A, %dma_wait3A, %dma_wait3A_15] : memref<32x80x125xi32, #tpu.memory_space<hbm>> -> memref<1x80x125xi32, #tpu.memory_space<hbm>>
      %dma_wait3A_17 = tpu.memref_squeeze %dma_wait3A_16 : memref<1x80x125xi32, #tpu.memory_space<hbm>> -> memref<80x125xi32, #tpu.memory_space<hbm>>
      %dma_wait3A_18 = arith.constant 0 : i32
      %dma_wait3A_19 = arith.constant 0 : i32
      %dma_wait3A_20 = tpu.memref_slice %arg4[%add3A, %dma_wait3A_18, %dma_wait3A_19] : memref<32x80x125xi32, #tpu.memory_space<hbm>> -> memref<1x80x125xi32, #tpu.memory_space<hbm>>
      %dma_wait3A_21 = tpu.memref_squeeze %dma_wait3A_20 : memref<1x80x125xi32, #tpu.memory_space<hbm>> -> memref<80x125xi32, #tpu.memory_space<hbm>>
      tpu.wait_dma2 semaphore(%run_scoped3A : memref<!tpu.dma_semaphore, #tpu.memory_space<semaphore_mem>>) src(%dma_wait3A_21 : memref<80x125xi32, #tpu.memory_space<hbm>>) dst(%arg8 : memref<80x125xi32, #tpu.memory_space<vmem>>)
      tpu.yield
    }) : () -> ()
    %barrier3A = arith.constant 0 : index
    tpu.barrier barrier_id(%barrier3A)
    %scan3A = arith.constant 0 : i32
    %scan3A_3 = arith.constant 80 : i32
    %scan3A_4 = arith.addi %scan3A, %scan3A_3 : i32
    %scan3A_5 = arith.constant 1 : i32
    scf.for %scan3A_8 = %scan3A to %scan3A_4 step %scan3A_5  : i32 {
      %mul3A_9 = arith.constant 1 : i32
      %mul3A_10 = arith.muli %scan3A_8, %mul3A_9 : i32
      %add3A_11 = arith.constant 0 : i32
      %add3A_12 = arith.addi %add3A_11, %mul3A_10 : i32
      "tpu.region"() ({
        %run_scoped3A = tpu.sem_alloc : memref<!tpu.dma_semaphore, #tpu.memory_space<semaphore_mem>>
        %dma_start3A = arith.constant 0 : i32
        %dma_start3A_13 = tpu.memref_slice %arg7[%add3A_12, %dma_start3A] : memref<80x125xi32, #tpu.memory_space<vmem>> -> memref<1x125xi32, #tpu.memory_space<vmem>>
        %dma_start3A_14 = tpu.memref_squeeze %dma_start3A_13 : memref<1x125xi32, #tpu.memory_space<vmem>> -> memref<125xi32, #tpu.memory_space<vmem>>
        %dma_start3A_15 = arith.constant 0 : i32
        %dma_start3A_16 = arith.constant 0 : i32
        %dma_start3A_17 = tpu.memref_slice %arg2[%dma_start3A_15, %dma_start3A_16] : memref<10000x128xf32, #tpu.memory_space<hbm>> -> memref<10000x128xf32, #tpu.memory_space<hbm>>
        tpu.enqueue_indirect_dma source(%dma_start3A_17 : memref<10000x128xf32, #tpu.memory_space<hbm>>) target(%arg9 : memref<125x128xf32, #tpu.memory_space<vmem>>) offsets(%dma_start3A_14 : memref<125xi32, #tpu.memory_space<vmem>>) semaphore(%run_scoped3A : memref<!tpu.dma_semaphore, #tpu.memory_space<semaphore_mem>>)
        %dma_wait3A = arith.constant 0 : i32
        %dma_wait3A_18 = tpu.memref_slice %arg7[%add3A_12, %dma_wait3A] : memref<80x125xi32, #tpu.memory_space<vmem>> -> memref<1x125xi32, #tpu.memory_space<vmem>>
        %dma_wait3A_19 = tpu.memref_squeeze %dma_wait3A_18 : memref<1x125xi32, #tpu.memory_space<vmem>> -> memref<125xi32, #tpu.memory_space<vmem>>
        %dma_wait3A_20 = arith.constant 0 : i32
        %dma_wait3A_21 = arith.constant 0 : i32
        %dma_wait3A_22 = tpu.memref_slice %arg2[%dma_wait3A_20, %dma_wait3A_21] : memref<10000x128xf32, #tpu.memory_space<hbm>> -> memref<10000x128xf32, #tpu.memory_space<hbm>>
        tpu.wait_indirect_dma semaphore(%run_scoped3A : memref<!tpu.dma_semaphore, #tpu.memory_space<semaphore_mem>>) src(%dma_wait3A_22 : memref<10000x128xf32, #tpu.memory_space<hbm>>) dst(%arg9 : memref<125x128xf32, #tpu.memory_space<vmem>>)
        tpu.yield
      }) : () -> ()
      "tpu.region"() ({
        %run_scoped3A = tpu.sem_alloc : memref<!tpu.dma_semaphore, #tpu.memory_space<semaphore_mem>>
        %dma_start3A = arith.constant 0 : i32
        %dma_start3A_13 = tpu.memref_slice %arg8[%add3A_12, %dma_start3A] : memref<80x125xi32, #tpu.memory_space<vmem>> -> memref<1x125xi32, #tpu.memory_space<vmem>>
        %dma_start3A_14 = tpu.memref_squeeze %dma_start3A_13 : memref<1x125xi32, #tpu.memory_space<vmem>> -> memref<125xi32, #tpu.memory_space<vmem>>
        %dma_start3A_15 = arith.constant 0 : i32
        %dma_start3A_16 = arith.constant 0 : i32
        %dma_start3A_17 = tpu.memref_slice %arg10[%dma_start3A_15, %dma_start3A_16] : memref<10240x128xf32, #tpu.memory_space<vmem_shared>> -> memref<10240x128xf32, #tpu.memory_space<vmem_shared>>
        tpu.enqueue_indirect_dma source(%arg9 : memref<125x128xf32, #tpu.memory_space<vmem>>) target(%dma_start3A_17 : memref<10240x128xf32, #tpu.memory_space<vmem_shared>>) offsets(%dma_start3A_14 : memref<125xi32, #tpu.memory_space<vmem>>) semaphore(%run_scoped3A : memref<!tpu.dma_semaphore, #tpu.memory_space<semaphore_mem>>) {add = true}
        %dma_wait3A = arith.constant 0 : i32
        %dma_wait3A_18 = tpu.memref_slice %arg8[%add3A_12, %dma_wait3A] : memref<80x125xi32, #tpu.memory_space<vmem>> -> memref<1x125xi32, #tpu.memory_space<vmem>>
        %dma_wait3A_19 = tpu.memref_squeeze %dma_wait3A_18 : memref<1x125xi32, #tpu.memory_space<vmem>> -> memref<125xi32, #tpu.memory_space<vmem>>
        %dma_wait3A_20 = arith.constant 0 : i32
        %dma_wait3A_21 = arith.constant 0 : i32
        %dma_wait3A_22 = tpu.memref_slice %arg10[%dma_wait3A_20, %dma_wait3A_21] : memref<10240x128xf32, #tpu.memory_space<vmem_shared>> -> memref<10240x128xf32, #tpu.memory_space<vmem_shared>>
        tpu.wait_indirect_dma semaphore(%run_scoped3A : memref<!tpu.dma_semaphore, #tpu.memory_space<semaphore_mem>>) src(%arg9 : memref<125x128xf32, #tpu.memory_space<vmem>>) dst(%dma_wait3A_22 : memref<10240x128xf32, #tpu.memory_space<vmem_shared>>)
        tpu.yield
      }) : () -> ()
    }
    %scan3A_6 = arith.constant 80 : i32
    %barrier3A_7 = arith.constant 0 : index
    tpu.barrier barrier_id(%barrier3A_7)
    "tpu.region"() ({
      %run_scoped3A = tpu.sem_alloc : memref<!tpu.dma_semaphore, #tpu.memory_space<semaphore_mem>>
      %dma_start3A = arith.constant 0 : i32
      %dma_start3A_8 = arith.constant 0 : i32
      %dma_start3A_9 = tpu.memref_slice %arg6[%arg0, %dma_start3A, %dma_start3A_8] : memref<2x10240x128xf32, #tpu.memory_space<hbm>> -> memref<1x10240x128xf32, #tpu.memory_space<hbm>>
      %dma_start3A_10 = tpu.memref_squeeze %dma_start3A_9 : memref<1x10240x128xf32, #tpu.memory_space<hbm>> -> memref<10240x128xf32, #tpu.memory_space<hbm>>
      %dma_start3A_11 = arith.constant 0 : i32
      %dma_start3A_12 = tpu.memref_slice %dma_start3A_10[%mul3A_2, %dma_start3A_11] : memref<10240x128xf32, #tpu.memory_space<hbm>> -> memref<640x128xf32, #tpu.memory_space<hbm>>
      %dma_start3A_13 = arith.constant 0 : i32
      %dma_start3A_14 = tpu.memref_slice %arg10[%mul3A_2, %dma_start3A_13] : memref<10240x128xf32, #tpu.memory_space<vmem_shared>> -> memref<640x128xf32, #tpu.memory_space<vmem_shared>>
      tpu.enqueue_dma source(%dma_start3A_14 : memref<640x128xf32, #tpu.memory_space<vmem_shared>>) target(%dma_start3A_12 : memref<640x128xf32, #tpu.memory_space<hbm>>) target_semaphore(%run_scoped3A : memref<!tpu.dma_semaphore, #tpu.memory_space<semaphore_mem>>)
      %dma_wait3A = arith.constant 0 : i32
      %dma_wait3A_15 = arith.constant 0 : i32
      %dma_wait3A_16 = tpu.memref_slice %arg6[%arg0, %dma_wait3A, %dma_wait3A_15] : memref<2x10240x128xf32, #tpu.memory_space<hbm>> -> memref<1x10240x128xf32, #tpu.memory_space<hbm>>
      %dma_wait3A_17 = tpu.memref_squeeze %dma_wait3A_16 : memref<1x10240x128xf32, #tpu.memory_space<hbm>> -> memref<10240x128xf32, #tpu.memory_space<hbm>>
      %dma_wait3A_18 = arith.constant 0 : i32
      %dma_wait3A_19 = tpu.memref_slice %dma_wait3A_17[%mul3A_2, %dma_wait3A_18] : memref<10240x128xf32, #tpu.memory_space<hbm>> -> memref<640x128xf32, #tpu.memory_space<hbm>>
      %dma_wait3A_20 = arith.constant 0 : i32
      %dma_wait3A_21 = tpu.memref_slice %arg10[%mul3A_2, %dma_wait3A_20] : memref<10240x128xf32, #tpu.memory_space<vmem_shared>> -> memref<640x128xf32, #tpu.memory_space<vmem_shared>>
      tpu.wait_dma2 semaphore(%run_scoped3A : memref<!tpu.dma_semaphore, #tpu.memory_space<semaphore_mem>>) src(%dma_wait3A_21 : memref<640x128xf32, #tpu.memory_space<vmem_shared>>) dst(%dma_wait3A_19 : memref<640x128xf32, #tpu.memory_space<hbm>>)
      tpu.yield
    }) : () -> ()
    return
  }
}

#map = affine_map<(d0, d1) -> (0, 0, 0)>
#map1 = affine_map<(d0, d1) -> (0, 0)>
module attributes {stable_mosaic.version = 14 : i64} {
  func.func @k(%arg0: i32, %arg1: i32, %arg2: memref<32x80x125xi32, #tpu.memory_space<hbm>>, %arg3: memref<10240x16xf32, #tpu.memory_space<hbm>>, %arg4: memref<125x16xf32, #tpu.memory_space<hbm>>, %arg5: memref<2x10240x16xf32, #tpu.memory_space<hbm>>, %arg6: memref<80x125xi32, #tpu.memory_space<vmem>>, %arg7: memref<125x16xf32, #tpu.memory_space<vmem>>, %arg8: memref<10240x16xf32, #tpu.memory_space<vmem_shared>>) attributes {dimension_semantics = [#tpu.dimension_semantics<core_parallel>, #tpu.dimension_semantics<subcore_parallel>], iteration_bounds = array<i64: 2, 16>, scalar_prefetch = 0 : i64, scratch_operands = 3 : i64, tpu.core_type = #tpu.core_type<sc_vector_subcore>, window_params = [{transform_indices = #map}, {transform_indices = #map1}, {transform_indices = #map1}, {transform_indices = #map}]} {
    %mul3A = arith.constant 16 : i32
    %mul3A_0 = arith.muli %arg0, %mul3A : i32
    %add3A = arith.addi %mul3A_0, %arg1 : i32
    %mul3A_1 = arith.constant 640 : i32
    %mul3A_2 = arith.muli %arg1, %mul3A_1 : i32
    "tpu.region"() ({
      %run_scoped3A = tpu.sem_alloc : memref<!tpu.dma_semaphore, #tpu.memory_space<semaphore_mem>>
      %dma_start3A = arith.constant 0 : i32
      %dma_start3A_8 = tpu.memref_slice %arg8[%mul3A_2, %dma_start3A] : memref<10240x16xf32, #tpu.memory_space<vmem_shared>> -> memref<640x16xf32, #tpu.memory_space<vmem_shared>>
      %dma_start3A_9 = arith.constant 0 : i32
      %dma_start3A_10 = tpu.memref_slice %arg3[%mul3A_2, %dma_start3A_9] : memref<10240x16xf32, #tpu.memory_space<hbm>> -> memref<640x16xf32, #tpu.memory_space<hbm>>
      tpu.enqueue_dma source(%dma_start3A_10 : memref<640x16xf32, #tpu.memory_space<hbm>>) target(%dma_start3A_8 : memref<640x16xf32, #tpu.memory_space<vmem_shared>>) target_semaphore(%run_scoped3A : memref<!tpu.dma_semaphore, #tpu.memory_space<semaphore_mem>>)
      %dma_wait3A = arith.constant 0 : i32
      %dma_wait3A_11 = tpu.memref_slice %arg8[%mul3A_2, %dma_wait3A] : memref<10240x16xf32, #tpu.memory_space<vmem_shared>> -> memref<640x16xf32, #tpu.memory_space<vmem_shared>>
      %dma_wait3A_12 = arith.constant 0 : i32
      %dma_wait3A_13 = tpu.memref_slice %arg3[%mul3A_2, %dma_wait3A_12] : memref<10240x16xf32, #tpu.memory_space<hbm>> -> memref<640x16xf32, #tpu.memory_space<hbm>>
      tpu.wait_dma2 semaphore(%run_scoped3A : memref<!tpu.dma_semaphore, #tpu.memory_space<semaphore_mem>>) src(%dma_wait3A_13 : memref<640x16xf32, #tpu.memory_space<hbm>>) dst(%dma_wait3A_11 : memref<640x16xf32, #tpu.memory_space<vmem_shared>>)
      tpu.yield
    }) : () -> ()
    "tpu.region"() ({
      %run_scoped3A = tpu.sem_alloc : memref<!tpu.dma_semaphore, #tpu.memory_space<semaphore_mem>>
      tpu.enqueue_dma source(%arg4 : memref<125x16xf32, #tpu.memory_space<hbm>>) target(%arg7 : memref<125x16xf32, #tpu.memory_space<vmem>>) target_semaphore(%run_scoped3A : memref<!tpu.dma_semaphore, #tpu.memory_space<semaphore_mem>>)
      tpu.wait_dma2 semaphore(%run_scoped3A : memref<!tpu.dma_semaphore, #tpu.memory_space<semaphore_mem>>) src(%arg4 : memref<125x16xf32, #tpu.memory_space<hbm>>) dst(%arg7 : memref<125x16xf32, #tpu.memory_space<vmem>>)
      tpu.yield
    }) : () -> ()
    "tpu.region"() ({
      %run_scoped3A = tpu.sem_alloc : memref<!tpu.dma_semaphore, #tpu.memory_space<semaphore_mem>>
      %dma_start3A = arith.constant 0 : i32
      %dma_start3A_8 = arith.constant 0 : i32
      %dma_start3A_9 = tpu.memref_slice %arg2[%add3A, %dma_start3A, %dma_start3A_8] : memref<32x80x125xi32, #tpu.memory_space<hbm>> -> memref<1x80x125xi32, #tpu.memory_space<hbm>>
      %dma_start3A_10 = tpu.memref_squeeze %dma_start3A_9 : memref<1x80x125xi32, #tpu.memory_space<hbm>> -> memref<80x125xi32, #tpu.memory_space<hbm>>
      %dma_start3A_11 = arith.constant 0 : i32
      %dma_start3A_12 = arith.constant 0 : i32
      %dma_start3A_13 = tpu.memref_slice %arg2[%add3A, %dma_start3A_11, %dma_start3A_12] : memref<32x80x125xi32, #tpu.memory_space<hbm>> -> memref<1x80x125xi32, #tpu.memory_space<hbm>>
      %dma_start3A_14 = tpu.memref_squeeze %dma_start3A_13 : memref<1x80x125xi32, #tpu.memory_space<hbm>> -> memref<80x125xi32, #tpu.memory_space<hbm>>
      tpu.enqueue_dma source(%dma_start3A_14 : memref<80x125xi32, #tpu.memory_space<hbm>>) target(%arg6 : memref<80x125xi32, #tpu.memory_space<vmem>>) target_semaphore(%run_scoped3A : memref<!tpu.dma_semaphore, #tpu.memory_space<semaphore_mem>>)
      %dma_wait3A = arith.constant 0 : i32
      %dma_wait3A_15 = arith.constant 0 : i32
      %dma_wait3A_16 = tpu.memref_slice %arg2[%add3A, %dma_wait3A, %dma_wait3A_15] : memref<32x80x125xi32, #tpu.memory_space<hbm>> -> memref<1x80x125xi32, #tpu.memory_space<hbm>>
      %dma_wait3A_17 = tpu.memref_squeeze %dma_wait3A_16 : memref<1x80x125xi32, #tpu.memory_space<hbm>> -> memref<80x125xi32, #tpu.memory_space<hbm>>
      %dma_wait3A_18 = arith.constant 0 : i32
      %dma_wait3A_19 = arith.constant 0 : i32
      %dma_wait3A_20 = tpu.memref_slice %arg2[%add3A, %dma_wait3A_18, %dma_wait3A_19] : memref<32x80x125xi32, #tpu.memory_space<hbm>> -> memref<1x80x125xi32, #tpu.memory_space<hbm>>
      %dma_wait3A_21 = tpu.memref_squeeze %dma_wait3A_20 : memref<1x80x125xi32, #tpu.memory_space<hbm>> -> memref<80x125xi32, #tpu.memory_space<hbm>>
      tpu.wait_dma2 semaphore(%run_scoped3A : memref<!tpu.dma_semaphore, #tpu.memory_space<semaphore_mem>>) src(%dma_wait3A_21 : memref<80x125xi32, #tpu.memory_space<hbm>>) dst(%arg6 : memref<80x125xi32, #tpu.memory_space<vmem>>)
      tpu.yield
    }) : () -> ()
    %barrier3A = arith.constant 0 : index
    tpu.barrier barrier_id(%barrier3A)
    %scan3A = arith.constant 0 : i32
    %scan3A_3 = arith.constant 80 : i32
    %scan3A_4 = arith.addi %scan3A, %scan3A_3 : i32
    %scan3A_5 = arith.constant 1 : i32
    scf.for %scan3A_8 = %scan3A to %scan3A_4 step %scan3A_5  : i32 {
      %mul3A_9 = arith.constant 1 : i32
      %mul3A_10 = arith.muli %scan3A_8, %mul3A_9 : i32
      %add3A_11 = arith.constant 0 : i32
      %add3A_12 = arith.addi %add3A_11, %mul3A_10 : i32
      "tpu.region"() ({
        %run_scoped3A = tpu.sem_alloc : memref<!tpu.dma_semaphore, #tpu.memory_space<semaphore_mem>>
        %dma_start3A = arith.constant 0 : i32
        %dma_start3A_13 = tpu.memref_slice %arg6[%add3A_12, %dma_start3A] : memref<80x125xi32, #tpu.memory_space<vmem>> -> memref<1x125xi32, #tpu.memory_space<vmem>>
        %dma_start3A_14 = tpu.memref_squeeze %dma_start3A_13 : memref<1x125xi32, #tpu.memory_space<vmem>> -> memref<125xi32, #tpu.memory_space<vmem>>
        %dma_start3A_15 = arith.constant 0 : i32
        %dma_start3A_16 = arith.constant 0 : i32
        %dma_start3A_17 = tpu.memref_slice %arg8[%dma_start3A_15, %dma_start3A_16] : memref<10240x16xf32, #tpu.memory_space<vmem_shared>> -> memref<10240x16xf32, #tpu.memory_space<vmem_shared>>
        tpu.enqueue_indirect_dma source(%arg7 : memref<125x16xf32, #tpu.memory_space<vmem>>) target(%dma_start3A_17 : memref<10240x16xf32, #tpu.memory_space<vmem_shared>>) offsets(%dma_start3A_14 : memref<125xi32, #tpu.memory_space<vmem>>) semaphore(%run_scoped3A : memref<!tpu.dma_semaphore, #tpu.memory_space<semaphore_mem>>) {add = true}
        %dma_wait3A = arith.constant 0 : i32
        %dma_wait3A_18 = tpu.memref_slice %arg6[%add3A_12, %dma_wait3A] : memref<80x125xi32, #tpu.memory_space<vmem>> -> memref<1x125xi32, #tpu.memory_space<vmem>>
        %dma_wait3A_19 = tpu.memref_squeeze %dma_wait3A_18 : memref<1x125xi32, #tpu.memory_space<vmem>> -> memref<125xi32, #tpu.memory_space<vmem>>
        %dma_wait3A_20 = arith.constant 0 : i32
        %dma_wait3A_21 = arith.constant 0 : i32
        %dma_wait3A_22 = tpu.memref_slice %arg8[%dma_wait3A_20, %dma_wait3A_21] : memref<10240x16xf32, #tpu.memory_space<vmem_shared>> -> memref<10240x16xf32, #tpu.memory_space<vmem_shared>>
        tpu.wait_indirect_dma semaphore(%run_scoped3A : memref<!tpu.dma_semaphore, #tpu.memory_space<semaphore_mem>>) src(%arg7 : memref<125x16xf32, #tpu.memory_space<vmem>>) dst(%dma_wait3A_22 : memref<10240x16xf32, #tpu.memory_space<vmem_shared>>)
        tpu.yield
      }) : () -> ()
    }
    %scan3A_6 = arith.constant 80 : i32
    %barrier3A_7 = arith.constant 0 : index
    tpu.barrier barrier_id(%barrier3A_7)
    "tpu.region"() ({
      %run_scoped3A = tpu.sem_alloc : memref<!tpu.dma_semaphore, #tpu.memory_space<semaphore_mem>>
      %dma_start3A = arith.constant 0 : i32
      %dma_start3A_8 = arith.constant 0 : i32
      %dma_start3A_9 = tpu.memref_slice %arg5[%arg0, %dma_start3A, %dma_start3A_8] : memref<2x10240x16xf32, #tpu.memory_space<hbm>> -> memref<1x10240x16xf32, #tpu.memory_space<hbm>>
      %dma_start3A_10 = tpu.memref_squeeze %dma_start3A_9 : memref<1x10240x16xf32, #tpu.memory_space<hbm>> -> memref<10240x16xf32, #tpu.memory_space<hbm>>
      %dma_start3A_11 = arith.constant 0 : i32
      %dma_start3A_12 = tpu.memref_slice %dma_start3A_10[%mul3A_2, %dma_start3A_11] : memref<10240x16xf32, #tpu.memory_space<hbm>> -> memref<640x16xf32, #tpu.memory_space<hbm>>
      %dma_start3A_13 = arith.constant 0 : i32
      %dma_start3A_14 = tpu.memref_slice %arg8[%mul3A_2, %dma_start3A_13] : memref<10240x16xf32, #tpu.memory_space<vmem_shared>> -> memref<640x16xf32, #tpu.memory_space<vmem_shared>>
      tpu.enqueue_dma source(%dma_start3A_14 : memref<640x16xf32, #tpu.memory_space<vmem_shared>>) target(%dma_start3A_12 : memref<640x16xf32, #tpu.memory_space<hbm>>) target_semaphore(%run_scoped3A : memref<!tpu.dma_semaphore, #tpu.memory_space<semaphore_mem>>)
      %dma_wait3A = arith.constant 0 : i32
      %dma_wait3A_15 = arith.constant 0 : i32
      %dma_wait3A_16 = tpu.memref_slice %arg5[%arg0, %dma_wait3A, %dma_wait3A_15] : memref<2x10240x16xf32, #tpu.memory_space<hbm>> -> memref<1x10240x16xf32, #tpu.memory_space<hbm>>
      %dma_wait3A_17 = tpu.memref_squeeze %dma_wait3A_16 : memref<1x10240x16xf32, #tpu.memory_space<hbm>> -> memref<10240x16xf32, #tpu.memory_space<hbm>>
      %dma_wait3A_18 = arith.constant 0 : i32
      %dma_wait3A_19 = tpu.memref_slice %dma_wait3A_17[%mul3A_2, %dma_wait3A_18] : memref<10240x16xf32, #tpu.memory_space<hbm>> -> memref<640x16xf32, #tpu.memory_space<hbm>>
      %dma_wait3A_20 = arith.constant 0 : i32
      %dma_wait3A_21 = tpu.memref_slice %arg8[%mul3A_2, %dma_wait3A_20] : memref<10240x16xf32, #tpu.memory_space<vmem_shared>> -> memref<640x16xf32, #tpu.memory_space<vmem_shared>>
      tpu.wait_dma2 semaphore(%run_scoped3A : memref<!tpu.dma_semaphore, #tpu.memory_space<semaphore_mem>>) src(%dma_wait3A_21 : memref<640x16xf32, #tpu.memory_space<vmem_shared>>) dst(%dma_wait3A_19 : memref<640x16xf32, #tpu.memory_space<hbm>>)
      tpu.yield
    }) : () -> ()
    return
  }
}

#map = affine_map<(d0, d1) -> (0, 0)>
#map1 = affine_map<(d0, d1) -> (0, 0, 0)>
module attributes {stable_mosaic.version = 14 : i64} {
  func.func @k(%arg0: i32, %arg1: i32, %arg2: memref<10000x48xf32, #tpu.memory_space<hbm>>, %arg3: memref<32x80x125xi32, #tpu.memory_space<hbm>>, %arg4: memref<32x80x125xi32, #tpu.memory_space<hbm>>, %arg5: memref<10240x48xf32, #tpu.memory_space<hbm>>, %arg6: memref<2x10240x48xf32, #tpu.memory_space<hbm>>, %arg7: memref<80x125xi32, #tpu.memory_space<vmem>>, %arg8: memref<80x125xi32, #tpu.memory_space<vmem>>, %arg9: memref<125x48xf32, #tpu.memory_space<vmem>>, %arg10: memref<10240x48xf32, #tpu.memory_space<vmem_shared>>) attributes {dimension_semantics = [#tpu.dimension_semantics<core_parallel>, #tpu.dimension_semantics<subcore_parallel>], iteration_bounds = array<i64: 2, 16>, scalar_prefetch = 0 : i64, scratch_operands = 4 : i64, tpu.core_type = #tpu.core_type<sc_vector_subcore>, window_params = [{transform_indices = #map}, {transform_indices = #map1}, {transform_indices = #map1}, {transform_indices = #map}, {transform_indices = #map1}]} {
    %mul3A = arith.constant 16 : i32
    %mul3A_0 = arith.muli %arg0, %mul3A : i32
    %add3A = arith.addi %mul3A_0, %arg1 : i32
    %mul3A_1 = arith.constant 640 : i32
    %mul3A_2 = arith.muli %arg1, %mul3A_1 : i32
    "tpu.region"() ({
      %run_scoped3A = tpu.sem_alloc : memref<!tpu.dma_semaphore, #tpu.memory_space<semaphore_mem>>
      %dma_start3A = arith.constant 0 : i32
      %dma_start3A_8 = tpu.memref_slice %arg10[%mul3A_2, %dma_start3A] : memref<10240x48xf32, #tpu.memory_space<vmem_shared>> -> memref<640x48xf32, #tpu.memory_space<vmem_shared>>
      %dma_start3A_9 = arith.constant 0 : i32
      %dma_start3A_10 = tpu.memref_slice %arg5[%mul3A_2, %dma_start3A_9] : memref<10240x48xf32, #tpu.memory_space<hbm>> -> memref<640x48xf32, #tpu.memory_space<hbm>>
      tpu.enqueue_dma source(%dma_start3A_10 : memref<640x48xf32, #tpu.memory_space<hbm>>) target(%dma_start3A_8 : memref<640x48xf32, #tpu.memory_space<vmem_shared>>) target_semaphore(%run_scoped3A : memref<!tpu.dma_semaphore, #tpu.memory_space<semaphore_mem>>)
      %dma_wait3A = arith.constant 0 : i32
      %dma_wait3A_11 = tpu.memref_slice %arg10[%mul3A_2, %dma_wait3A] : memref<10240x48xf32, #tpu.memory_space<vmem_shared>> -> memref<640x48xf32, #tpu.memory_space<vmem_shared>>
      %dma_wait3A_12 = arith.constant 0 : i32
      %dma_wait3A_13 = tpu.memref_slice %arg5[%mul3A_2, %dma_wait3A_12] : memref<10240x48xf32, #tpu.memory_space<hbm>> -> memref<640x48xf32, #tpu.memory_space<hbm>>
      tpu.wait_dma2 semaphore(%run_scoped3A : memref<!tpu.dma_semaphore, #tpu.memory_space<semaphore_mem>>) src(%dma_wait3A_13 : memref<640x48xf32, #tpu.memory_space<hbm>>) dst(%dma_wait3A_11 : memref<640x48xf32, #tpu.memory_space<vmem_shared>>)
      tpu.yield
    }) : () -> ()
    "tpu.region"() ({
      %run_scoped3A = tpu.sem_alloc : memref<!tpu.dma_semaphore, #tpu.memory_space<semaphore_mem>>
      %dma_start3A = arith.constant 0 : i32
      %dma_start3A_8 = arith.constant 0 : i32
      %dma_start3A_9 = tpu.memref_slice %arg3[%add3A, %dma_start3A, %dma_start3A_8] : memref<32x80x125xi32, #tpu.memory_space<hbm>> -> memref<1x80x125xi32, #tpu.memory_space<hbm>>
      %dma_start3A_10 = tpu.memref_squeeze %dma_start3A_9 : memref<1x80x125xi32, #tpu.memory_space<hbm>> -> memref<80x125xi32, #tpu.memory_space<hbm>>
      %dma_start3A_11 = arith.constant 0 : i32
      %dma_start3A_12 = arith.constant 0 : i32
      %dma_start3A_13 = tpu.memref_slice %arg3[%add3A, %dma_start3A_11, %dma_start3A_12] : memref<32x80x125xi32, #tpu.memory_space<hbm>> -> memref<1x80x125xi32, #tpu.memory_space<hbm>>
      %dma_start3A_14 = tpu.memref_squeeze %dma_start3A_13 : memref<1x80x125xi32, #tpu.memory_space<hbm>> -> memref<80x125xi32, #tpu.memory_space<hbm>>
      tpu.enqueue_dma source(%dma_start3A_14 : memref<80x125xi32, #tpu.memory_space<hbm>>) target(%arg7 : memref<80x125xi32, #tpu.memory_space<vmem>>) target_semaphore(%run_scoped3A : memref<!tpu.dma_semaphore, #tpu.memory_space<semaphore_mem>>)
      %dma_wait3A = arith.constant 0 : i32
      %dma_wait3A_15 = arith.constant 0 : i32
      %dma_wait3A_16 = tpu.memref_slice %arg3[%add3A, %dma_wait3A, %dma_wait3A_15] : memref<32x80x125xi32, #tpu.memory_space<hbm>> -> memref<1x80x125xi32, #tpu.memory_space<hbm>>
      %dma_wait3A_17 = tpu.memref_squeeze %dma_wait3A_16 : memref<1x80x125xi32, #tpu.memory_space<hbm>> -> memref<80x125xi32, #tpu.memory_space<hbm>>
      %dma_wait3A_18 = arith.constant 0 : i32
      %dma_wait3A_19 = arith.constant 0 : i32
      %dma_wait3A_20 = tpu.memref_slice %arg3[%add3A, %dma_wait3A_18, %dma_wait3A_19] : memref<32x80x125xi32, #tpu.memory_space<hbm>> -> memref<1x80x125xi32, #tpu.memory_space<hbm>>
      %dma_wait3A_21 = tpu.memref_squeeze %dma_wait3A_20 : memref<1x80x125xi32, #tpu.memory_space<hbm>> -> memref<80x125xi32, #tpu.memory_space<hbm>>
      tpu.wait_dma2 semaphore(%run_scoped3A : memref<!tpu.dma_semaphore, #tpu.memory_space<semaphore_mem>>) src(%dma_wait3A_21 : memref<80x125xi32, #tpu.memory_space<hbm>>) dst(%arg7 : memref<80x125xi32, #tpu.memory_space<vmem>>)
      tpu.yield
    }) : () -> ()
    "tpu.region"() ({
      %run_scoped3A = tpu.sem_alloc : memref<!tpu.dma_semaphore, #tpu.memory_space<semaphore_mem>>
      %dma_start3A = arith.constant 0 : i32
      %dma_start3A_8 = arith.constant 0 : i32
      %dma_start3A_9 = tpu.memref_slice %arg4[%add3A, %dma_start3A, %dma_start3A_8] : memref<32x80x125xi32, #tpu.memory_space<hbm>> -> memref<1x80x125xi32, #tpu.memory_space<hbm>>
      %dma_start3A_10 = tpu.memref_squeeze %dma_start3A_9 : memref<1x80x125xi32, #tpu.memory_space<hbm>> -> memref<80x125xi32, #tpu.memory_space<hbm>>
      %dma_start3A_11 = arith.constant 0 : i32
      %dma_start3A_12 = arith.constant 0 : i32
      %dma_start3A_13 = tpu.memref_slice %arg4[%add3A, %dma_start3A_11, %dma_start3A_12] : memref<32x80x125xi32, #tpu.memory_space<hbm>> -> memref<1x80x125xi32, #tpu.memory_space<hbm>>
      %dma_start3A_14 = tpu.memref_squeeze %dma_start3A_13 : memref<1x80x125xi32, #tpu.memory_space<hbm>> -> memref<80x125xi32, #tpu.memory_space<hbm>>
      tpu.enqueue_dma source(%dma_start3A_14 : memref<80x125xi32, #tpu.memory_space<hbm>>) target(%arg8 : memref<80x125xi32, #tpu.memory_space<vmem>>) target_semaphore(%run_scoped3A : memref<!tpu.dma_semaphore, #tpu.memory_space<semaphore_mem>>)
      %dma_wait3A = arith.constant 0 : i32
      %dma_wait3A_15 = arith.constant 0 : i32
      %dma_wait3A_16 = tpu.memref_slice %arg4[%add3A, %dma_wait3A, %dma_wait3A_15] : memref<32x80x125xi32, #tpu.memory_space<hbm>> -> memref<1x80x125xi32, #tpu.memory_space<hbm>>
      %dma_wait3A_17 = tpu.memref_squeeze %dma_wait3A_16 : memref<1x80x125xi32, #tpu.memory_space<hbm>> -> memref<80x125xi32, #tpu.memory_space<hbm>>
      %dma_wait3A_18 = arith.constant 0 : i32
      %dma_wait3A_19 = arith.constant 0 : i32
      %dma_wait3A_20 = tpu.memref_slice %arg4[%add3A, %dma_wait3A_18, %dma_wait3A_19] : memref<32x80x125xi32, #tpu.memory_space<hbm>> -> memref<1x80x125xi32, #tpu.memory_space<hbm>>
      %dma_wait3A_21 = tpu.memref_squeeze %dma_wait3A_20 : memref<1x80x125xi32, #tpu.memory_space<hbm>> -> memref<80x125xi32, #tpu.memory_space<hbm>>
      tpu.wait_dma2 semaphore(%run_scoped3A : memref<!tpu.dma_semaphore, #tpu.memory_space<semaphore_mem>>) src(%dma_wait3A_21 : memref<80x125xi32, #tpu.memory_space<hbm>>) dst(%arg8 : memref<80x125xi32, #tpu.memory_space<vmem>>)
      tpu.yield
    }) : () -> ()
    %barrier3A = arith.constant 0 : index
    tpu.barrier barrier_id(%barrier3A)
    %scan3A = arith.constant 0 : i32
    %scan3A_3 = arith.constant 80 : i32
    %scan3A_4 = arith.addi %scan3A, %scan3A_3 : i32
    %scan3A_5 = arith.constant 1 : i32
    scf.for %scan3A_8 = %scan3A to %scan3A_4 step %scan3A_5  : i32 {
      %mul3A_9 = arith.constant 1 : i32
      %mul3A_10 = arith.muli %scan3A_8, %mul3A_9 : i32
      %add3A_11 = arith.constant 0 : i32
      %add3A_12 = arith.addi %add3A_11, %mul3A_10 : i32
      "tpu.region"() ({
        %run_scoped3A = tpu.sem_alloc : memref<!tpu.dma_semaphore, #tpu.memory_space<semaphore_mem>>
        %dma_start3A = arith.constant 0 : i32
        %dma_start3A_13 = tpu.memref_slice %arg7[%add3A_12, %dma_start3A] : memref<80x125xi32, #tpu.memory_space<vmem>> -> memref<1x125xi32, #tpu.memory_space<vmem>>
        %dma_start3A_14 = tpu.memref_squeeze %dma_start3A_13 : memref<1x125xi32, #tpu.memory_space<vmem>> -> memref<125xi32, #tpu.memory_space<vmem>>
        %dma_start3A_15 = arith.constant 0 : i32
        %dma_start3A_16 = arith.constant 0 : i32
        %dma_start3A_17 = tpu.memref_slice %arg2[%dma_start3A_15, %dma_start3A_16] : memref<10000x48xf32, #tpu.memory_space<hbm>> -> memref<10000x48xf32, #tpu.memory_space<hbm>>
        tpu.enqueue_indirect_dma source(%dma_start3A_17 : memref<10000x48xf32, #tpu.memory_space<hbm>>) target(%arg9 : memref<125x48xf32, #tpu.memory_space<vmem>>) offsets(%dma_start3A_14 : memref<125xi32, #tpu.memory_space<vmem>>) semaphore(%run_scoped3A : memref<!tpu.dma_semaphore, #tpu.memory_space<semaphore_mem>>)
        %dma_wait3A = arith.constant 0 : i32
        %dma_wait3A_18 = tpu.memref_slice %arg7[%add3A_12, %dma_wait3A] : memref<80x125xi32, #tpu.memory_space<vmem>> -> memref<1x125xi32, #tpu.memory_space<vmem>>
        %dma_wait3A_19 = tpu.memref_squeeze %dma_wait3A_18 : memref<1x125xi32, #tpu.memory_space<vmem>> -> memref<125xi32, #tpu.memory_space<vmem>>
        %dma_wait3A_20 = arith.constant 0 : i32
        %dma_wait3A_21 = arith.constant 0 : i32
        %dma_wait3A_22 = tpu.memref_slice %arg2[%dma_wait3A_20, %dma_wait3A_21] : memref<10000x48xf32, #tpu.memory_space<hbm>> -> memref<10000x48xf32, #tpu.memory_space<hbm>>
        tpu.wait_indirect_dma semaphore(%run_scoped3A : memref<!tpu.dma_semaphore, #tpu.memory_space<semaphore_mem>>) src(%dma_wait3A_22 : memref<10000x48xf32, #tpu.memory_space<hbm>>) dst(%arg9 : memref<125x48xf32, #tpu.memory_space<vmem>>)
        tpu.yield
      }) : () -> ()
      "tpu.region"() ({
        %run_scoped3A = tpu.sem_alloc : memref<!tpu.dma_semaphore, #tpu.memory_space<semaphore_mem>>
        %dma_start3A = arith.constant 0 : i32
        %dma_start3A_13 = tpu.memref_slice %arg8[%add3A_12, %dma_start3A] : memref<80x125xi32, #tpu.memory_space<vmem>> -> memref<1x125xi32, #tpu.memory_space<vmem>>
        %dma_start3A_14 = tpu.memref_squeeze %dma_start3A_13 : memref<1x125xi32, #tpu.memory_space<vmem>> -> memref<125xi32, #tpu.memory_space<vmem>>
        %dma_start3A_15 = arith.constant 0 : i32
        %dma_start3A_16 = arith.constant 0 : i32
        %dma_start3A_17 = tpu.memref_slice %arg10[%dma_start3A_15, %dma_start3A_16] : memref<10240x48xf32, #tpu.memory_space<vmem_shared>> -> memref<10240x48xf32, #tpu.memory_space<vmem_shared>>
        tpu.enqueue_indirect_dma source(%arg9 : memref<125x48xf32, #tpu.memory_space<vmem>>) target(%dma_start3A_17 : memref<10240x48xf32, #tpu.memory_space<vmem_shared>>) offsets(%dma_start3A_14 : memref<125xi32, #tpu.memory_space<vmem>>) semaphore(%run_scoped3A : memref<!tpu.dma_semaphore, #tpu.memory_space<semaphore_mem>>) {add = true}
        %dma_wait3A = arith.constant 0 : i32
        %dma_wait3A_18 = tpu.memref_slice %arg8[%add3A_12, %dma_wait3A] : memref<80x125xi32, #tpu.memory_space<vmem>> -> memref<1x125xi32, #tpu.memory_space<vmem>>
        %dma_wait3A_19 = tpu.memref_squeeze %dma_wait3A_18 : memref<1x125xi32, #tpu.memory_space<vmem>> -> memref<125xi32, #tpu.memory_space<vmem>>
        %dma_wait3A_20 = arith.constant 0 : i32
        %dma_wait3A_21 = arith.constant 0 : i32
        %dma_wait3A_22 = tpu.memref_slice %arg10[%dma_wait3A_20, %dma_wait3A_21] : memref<10240x48xf32, #tpu.memory_space<vmem_shared>> -> memref<10240x48xf32, #tpu.memory_space<vmem_shared>>
        tpu.wait_indirect_dma semaphore(%run_scoped3A : memref<!tpu.dma_semaphore, #tpu.memory_space<semaphore_mem>>) src(%arg9 : memref<125x48xf32, #tpu.memory_space<vmem>>) dst(%dma_wait3A_22 : memref<10240x48xf32, #tpu.memory_space<vmem_shared>>)
        tpu.yield
      }) : () -> ()
    }
    %scan3A_6 = arith.constant 80 : i32
    %barrier3A_7 = arith.constant 0 : index
    tpu.barrier barrier_id(%barrier3A_7)
    "tpu.region"() ({
      %run_scoped3A = tpu.sem_alloc : memref<!tpu.dma_semaphore, #tpu.memory_space<semaphore_mem>>
      %dma_start3A = arith.constant 0 : i32
      %dma_start3A_8 = arith.constant 0 : i32
      %dma_start3A_9 = tpu.memref_slice %arg6[%arg0, %dma_start3A, %dma_start3A_8] : memref<2x10240x48xf32, #tpu.memory_space<hbm>> -> memref<1x10240x48xf32, #tpu.memory_space<hbm>>
      %dma_start3A_10 = tpu.memref_squeeze %dma_start3A_9 : memref<1x10240x48xf32, #tpu.memory_space<hbm>> -> memref<10240x48xf32, #tpu.memory_space<hbm>>
      %dma_start3A_11 = arith.constant 0 : i32
      %dma_start3A_12 = tpu.memref_slice %dma_start3A_10[%mul3A_2, %dma_start3A_11] : memref<10240x48xf32, #tpu.memory_space<hbm>> -> memref<640x48xf32, #tpu.memory_space<hbm>>
      %dma_start3A_13 = arith.constant 0 : i32
      %dma_start3A_14 = tpu.memref_slice %arg10[%mul3A_2, %dma_start3A_13] : memref<10240x48xf32, #tpu.memory_space<vmem_shared>> -> memref<640x48xf32, #tpu.memory_space<vmem_shared>>
      tpu.enqueue_dma source(%dma_start3A_14 : memref<640x48xf32, #tpu.memory_space<vmem_shared>>) target(%dma_start3A_12 : memref<640x48xf32, #tpu.memory_space<hbm>>) target_semaphore(%run_scoped3A : memref<!tpu.dma_semaphore, #tpu.memory_space<semaphore_mem>>)
      %dma_wait3A = arith.constant 0 : i32
      %dma_wait3A_15 = arith.constant 0 : i32
      %dma_wait3A_16 = tpu.memref_slice %arg6[%arg0, %dma_wait3A, %dma_wait3A_15] : memref<2x10240x48xf32, #tpu.memory_space<hbm>> -> memref<1x10240x48xf32, #tpu.memory_space<hbm>>
      %dma_wait3A_17 = tpu.memref_squeeze %dma_wait3A_16 : memref<1x10240x48xf32, #tpu.memory_space<hbm>> -> memref<10240x48xf32, #tpu.memory_space<hbm>>
      %dma_wait3A_18 = arith.constant 0 : i32
      %dma_wait3A_19 = tpu.memref_slice %dma_wait3A_17[%mul3A_2, %dma_wait3A_18] : memref<10240x48xf32, #tpu.memory_space<hbm>> -> memref<640x48xf32, #tpu.memory_space<hbm>>
      %dma_wait3A_20 = arith.constant 0 : i32
      %dma_wait3A_21 = tpu.memref_slice %arg10[%mul3A_2, %dma_wait3A_20] : memref<10240x48xf32, #tpu.memory_space<vmem_shared>> -> memref<640x48xf32, #tpu.memory_space<vmem_shared>>
      tpu.wait_dma2 semaphore(%run_scoped3A : memref<!tpu.dma_semaphore, #tpu.memory_space<semaphore_mem>>) src(%dma_wait3A_21 : memref<640x48xf32, #tpu.memory_space<vmem_shared>>) dst(%dma_wait3A_19 : memref<640x48xf32, #tpu.memory_space<hbm>>)
      tpu.yield
    }) : () -> ()
    return
  }
}

module attributes {stable_mosaic.version = 14 : i64} {
  func.func @body(%arg0: i32, %arg1: memref<1000x128xf32, #tpu.memory_space<vmem>>, %arg2: memref<2x1000x128xf32, #tpu.memory_space<vmem>>, %arg3: memref<2x1000x16xf32, #tpu.memory_space<vmem>>, %arg4: memref<128x256xf32, #tpu.memory_space<vmem>>, %arg5: memref<128x256xf32, #tpu.memory_space<vmem>>, %arg6: memref<1x256xf32, #tpu.memory_space<vmem>>, %arg7: memref<256x48xf32, #tpu.memory_space<vmem>>, %arg8: memref<256x40xf32, #tpu.memory_space<vmem>>, %arg9: memref<1000x48xf32, #tpu.memory_space<vmem>>, %arg10: memref<1000x40xf32, #tpu.memory_space<vmem>>) attributes {dimension_semantics = [#tpu.dimension_semantics<arbitrary>], iteration_bounds = array<i64: 10>, scalar_prefetch = 0 : i64, scratch_operands = 0 : i64, tpu.core_type = #tpu.core_type<tc>, window_params = [{transform_indices = @transform_0, window_bounds = array<i64: 1000, 128>}, {transform_indices = @transform_1, window_bounds = array<i64: 2, 1000, 128>}, {transform_indices = @transform_2, window_bounds = array<i64: 2, 1000, 16>}, {pipeline_mode = #tpu.pipeline_mode<synchronous>, transform_indices = @transform_3, window_bounds = array<i64: 128, 256>}, {pipeline_mode = #tpu.pipeline_mode<synchronous>, transform_indices = @transform_4, window_bounds = array<i64: 128, 256>}, {pipeline_mode = #tpu.pipeline_mode<synchronous>, transform_indices = @transform_5, window_bounds = array<i64: 1, 256>}, {pipeline_mode = #tpu.pipeline_mode<synchronous>, transform_indices = @transform_6, window_bounds = array<i64: 256, 48>}, {pipeline_mode = #tpu.pipeline_mode<synchronous>, transform_indices = @transform_7, window_bounds = array<i64: 256, 40>}, {transform_indices = @transform_8, window_bounds = array<i64: 1000, 48>}, {transform_indices = @transform_9, window_bounds = array<i64: 1000, 40>}]} {
    %get3A = arith.constant 0 : index
    %get3A_0 = arith.constant 0 : index
    %get3A_1 = arith.constant 0 : index
    %get3A_2 = vector.load %arg3[%get3A, %get3A_0, %get3A_1] : memref<2x1000x16xf32, #tpu.memory_space<vmem>>, vector<1x1000x1xf32>
    %get3A_3 = vector.shape_cast %get3A_2 : vector<1x1000x1xf32> to vector<1000x1xf32>
    %get3A_4 = arith.constant 1 : index
    %get3A_5 = arith.constant 0 : index
    %get3A_6 = arith.constant 0 : index
    %get3A_7 = vector.load %arg3[%get3A_4, %get3A_5, %get3A_6] : memref<2x1000x16xf32, #tpu.memory_space<vmem>>, vector<1x1000x1xf32>
    %get3A_8 = vector.shape_cast %get3A_7 : vector<1x1000x1xf32> to vector<1000x1xf32>
    %add3A = arith.addf %get3A_3, %get3A_8 : vector<1000x1xf32>
    %max3A = arith.constant 1.000000e+00 : f32
    %max3A_9 = vector.broadcast %max3A : f32 to vector<1000x1xf32>
    %max3A_10 = arith.maximumf %add3A, %max3A_9 : vector<1000x1xf32>
    %get3A_11 = arith.constant 0 : index
    %get3A_12 = arith.constant 0 : index
    %get3A_13 = arith.constant 0 : index
    %get3A_14 = vector.load %arg2[%get3A_11, %get3A_12, %get3A_13] : memref<2x1000x128xf32, #tpu.memory_space<vmem>>, vector<1x1000x128xf32>
    %get3A_15 = vector.shape_cast %get3A_14 : vector<1x1000x128xf32> to vector<1000x128xf32>
    %get3A_16 = arith.constant 1 : index
    %get3A_17 = arith.constant 0 : index
    %get3A_18 = arith.constant 0 : index
    %get3A_19 = vector.load %arg2[%get3A_16, %get3A_17, %get3A_18] : memref<2x1000x128xf32, #tpu.memory_space<vmem>>, vector<1x1000x128xf32>
    %get3A_20 = vector.shape_cast %get3A_19 : vector<1x1000x128xf32> to vector<1000x128xf32>
    %add3A_21 = arith.addf %get3A_15, %get3A_20 : vector<1000x128xf32>
    %div3A = vector.broadcast %max3A_10 : vector<1000x1xf32> to vector<1000x128xf32>
    %div3A_22 = arith.divf %add3A_21, %div3A : vector<1000x128xf32>
    %get3A_23 = arith.constant 0 : index
    %get3A_24 = arith.constant 0 : index
    %get3A_25 = vector.load %arg1[%get3A_23, %get3A_24] : memref<1000x128xf32, #tpu.memory_space<vmem>>, vector<1000x128xf32>
    %get3A_26 = arith.constant 0 : index
    %get3A_27 = arith.constant 0 : index
    %get3A_28 = vector.load %arg4[%get3A_26, %get3A_27] : memref<128x256xf32, #tpu.memory_space<vmem>>, vector<128x256xf32>
    %dot_general3A = arith.constant dense<0.000000e+00> : vector<1000x256xf32>
    %dot_general3A_29 = tpu.matmul %get3A_25, %get3A_28, %dot_general3A {dimension_numbers = #tpu.dot_dimension_numbers<[1], [0], [0], [1], [0, 0, 1, 1], [], []>, transpose_lhs_hint = false} : vector<1000x128xf32>, vector<128x256xf32>, vector<1000x256xf32> -> vector<1000x256xf32>
    %get3A_30 = arith.constant 0 : index
    %get3A_31 = arith.constant 0 : index
    %get3A_32 = vector.load %arg5[%get3A_30, %get3A_31] : memref<128x256xf32, #tpu.memory_space<vmem>>, vector<128x256xf32>
    %dot_general3A_33 = arith.constant dense<0.000000e+00> : vector<1000x256xf32>
    %dot_general3A_34 = tpu.matmul %div3A_22, %get3A_32, %dot_general3A_33 {dimension_numbers = #tpu.dot_dimension_numbers<[1], [0], [0], [1], [0, 0, 1, 1], [], []>, transpose_lhs_hint = false} : vector<1000x128xf32>, vector<128x256xf32>, vector<1000x256xf32> -> vector<1000x256xf32>
    %add3A_35 = arith.addf %dot_general3A_29, %dot_general3A_34 : vector<1000x256xf32>
    %get3A_36 = arith.constant 0 : index
    %get3A_37 = arith.constant 0 : index
    %get3A_38 = vector.load %arg6[%get3A_36, %get3A_37] : memref<1x256xf32, #tpu.memory_space<vmem>>, vector<1x256xf32>
    %add3A_39 = vector.broadcast %get3A_38 : vector<1x256xf32> to vector<1000x256xf32>
    %add3A_40 = arith.addf %add3A_35, %add3A_39 : vector<1000x256xf32>
    %max3A_41 = arith.constant 0.000000e+00 : f32
    %max3A_42 = vector.broadcast %max3A_41 : f32 to vector<1000x256xf32>
    %max3A_43 = arith.maximumf %add3A_40, %max3A_42 : vector<1000x256xf32>
    %get3A_44 = arith.constant 0 : index
    %get3A_45 = arith.constant 0 : index
    %get3A_46 = vector.load %arg7[%get3A_44, %get3A_45] : memref<256x48xf32, #tpu.memory_space<vmem>>, vector<256x48xf32>
    %dot_general3A_47 = arith.constant dense<0.000000e+00> : vector<1000x48xf32>
    %dot_general3A_48 = tpu.matmul %max3A_43, %get3A_46, %dot_general3A_47 {dimension_numbers = #tpu.dot_dimension_numbers<[1], [0], [0], [1], [0, 0, 1, 1], [], []>, transpose_lhs_hint = false} : vector<1000x256xf32>, vector<256x48xf32>, vector<1000x48xf32> -> vector<1000x48xf32>
    %swap3A = arith.constant 0 : index
    %swap3A_49 = arith.constant 0 : index
    %swap3A_50 = vector.load %arg9[%swap3A, %swap3A_49] : memref<1000x48xf32, #tpu.memory_space<vmem>>, vector<1000x48xf32>
    tpu.vector_store %arg9[%swap3A, %swap3A_49], %dot_general3A_48 {strides = array<i32>} : memref<1000x48xf32, #tpu.memory_space<vmem>>, vector<1000x48xf32>,
    %get3A_51 = arith.constant 0 : index
    %get3A_52 = arith.constant 0 : index
    %get3A_53 = vector.load %arg8[%get3A_51, %get3A_52] : memref<256x40xf32, #tpu.memory_space<vmem>>, vector<256x40xf32>
    %dot_general3A_54 = arith.constant dense<0.000000e+00> : vector<1000x40xf32>
    %dot_general3A_55 = tpu.matmul %max3A_43, %get3A_53, %dot_general3A_54 {dimension_numbers = #tpu.dot_dimension_numbers<[1], [0], [0], [1], [0, 0, 1, 1], [], []>, transpose_lhs_hint = false} : vector<1000x256xf32>, vector<256x40xf32>, vector<1000x40xf32> -> vector<1000x40xf32>
    %swap3A_56 = arith.constant 0 : index
    %swap3A_57 = arith.constant 0 : index
    %swap3A_58 = vector.load %arg10[%swap3A_56, %swap3A_57] : memref<1000x40xf32, #tpu.memory_space<vmem>>, vector<1000x40xf32>
    tpu.vector_store %arg10[%swap3A_56, %swap3A_57], %dot_general3A_55 {strides = array<i32>} : memref<1000x40xf32, #tpu.memory_space<vmem>>, vector<1000x40xf32>,
    return
  }
  func.func @transform_0(%arg0: i32) -> (i32, i32) {
    %c0_i32 = arith.constant 0 : i32
    %c0_i32_0 = arith.constant 0 : i32
    return %arg0, %c0_i32 : i32, i32
  }
  func.func @transform_1(%arg0: i32) -> (i32, i32, i32) {
    %c0_i32 = arith.constant 0 : i32
    %c0_i32_0 = arith.constant 0 : i32
    %c0_i32_1 = arith.constant 0 : i32
    return %c0_i32, %arg0, %c0_i32_0 : i32, i32, i32
  }
  func.func @transform_2(%arg0: i32) -> (i32, i32, i32) {
    %c0_i32 = arith.constant 0 : i32
    %c0_i32_0 = arith.constant 0 : i32
    %c0_i32_1 = arith.constant 0 : i32
    return %c0_i32, %arg0, %c0_i32_0 : i32, i32, i32
  }
  func.func @transform_3(%arg0: i32) -> (i32, i32) {
    %c0_i32 = arith.constant 0 : i32
    %c0_i32_0 = arith.constant 0 : i32
    %c0_i32_1 = arith.constant 0 : i32
    return %c0_i32, %c0_i32_0 : i32, i32
  }
  func.func @transform_4(%arg0: i32) -> (i32, i32) {
    %c0_i32 = arith.constant 0 : i32
    %c0_i32_0 = arith.constant 0 : i32
    %c0_i32_1 = arith.constant 0 : i32
    return %c0_i32, %c0_i32_0 : i32, i32
  }
  func.func @transform_5(%arg0: i32) -> (i32, i32) {
    %c0_i32 = arith.constant 0 : i32
    %c0_i32_0 = arith.constant 0 : i32
    %c0_i32_1 = arith.constant 0 : i32
    return %c0_i32, %c0_i32_0 : i32, i32
  }
  func.func @transform_6(%arg0: i32) -> (i32, i32) {
    %c0_i32 = arith.constant 0 : i32
    %c0_i32_0 = arith.constant 0 : i32
    %c0_i32_1 = arith.constant 0 : i32
    return %c0_i32, %c0_i32_0 : i32, i32
  }
  func.func @transform_7(%arg0: i32) -> (i32, i32) {
    %c0_i32 = arith.constant 0 : i32
    %c0_i32_0 = arith.constant 0 : i32
    %c0_i32_1 = arith.constant 0 : i32
    return %c0_i32, %c0_i32_0 : i32, i32
  }
  func.func @transform_8(%arg0: i32) -> (i32, i32) {
    %c0_i32 = arith.constant 0 : i32
    %c0_i32_0 = arith.constant 0 : i32
    return %arg0, %c0_i32 : i32, i32
  }
  func.func @transform_9(%arg0: i32) -> (i32, i32) {
    %c0_i32 = arith.constant 0 : i32
    %c0_i32_0 = arith.constant 0 : i32
    return %arg0, %c0_i32 : i32, i32
  }
}

module attributes {stable_mosaic.version = 14 : i64} {
  func.func @body(%arg0: i32, %arg1: memref<1000x40xf32, #tpu.memory_space<vmem>>, %arg2: memref<2x1000x48xf32, #tpu.memory_space<vmem>>, %arg3: memref<2x1000x16xf32, #tpu.memory_space<vmem>>, %arg4: memref<1x40xf32, #tpu.memory_space<vmem>>, %arg5: memref<1000x40xf32, #tpu.memory_space<vmem>>) attributes {dimension_semantics = [#tpu.dimension_semantics<arbitrary>], iteration_bounds = array<i64: 10>, scalar_prefetch = 0 : i64, scratch_operands = 0 : i64, tpu.core_type = #tpu.core_type<tc>, window_params = [{transform_indices = @transform_0, window_bounds = array<i64: 1000, 40>}, {transform_indices = @transform_1, window_bounds = array<i64: 2, 1000, 48>}, {transform_indices = @transform_2, window_bounds = array<i64: 2, 1000, 16>}, {pipeline_mode = #tpu.pipeline_mode<synchronous>, transform_indices = @transform_3, window_bounds = array<i64: 1, 40>}, {transform_indices = @transform_4, window_bounds = array<i64: 1000, 40>}]} {
    %get3A = arith.constant 0 : index
    %get3A_0 = arith.constant 0 : index
    %get3A_1 = arith.constant 0 : index
    %get3A_2 = vector.load %arg3[%get3A, %get3A_0, %get3A_1] : memref<2x1000x16xf32, #tpu.memory_space<vmem>>, vector<1x1000x1xf32>
    %get3A_3 = vector.shape_cast %get3A_2 : vector<1x1000x1xf32> to vector<1000x1xf32>
    %get3A_4 = arith.constant 1 : index
    %get3A_5 = arith.constant 0 : index
    %get3A_6 = arith.constant 0 : index
    %get3A_7 = vector.load %arg3[%get3A_4, %get3A_5, %get3A_6] : memref<2x1000x16xf32, #tpu.memory_space<vmem>>, vector<1x1000x1xf32>
    %get3A_8 = vector.shape_cast %get3A_7 : vector<1x1000x1xf32> to vector<1000x1xf32>
    %add3A = arith.addf %get3A_3, %get3A_8 : vector<1000x1xf32>
    %max3A = arith.constant 1.000000e+00 : f32
    %max3A_9 = vector.broadcast %max3A : f32 to vector<1000x1xf32>
    %max3A_10 = arith.maximumf %add3A, %max3A_9 : vector<1000x1xf32>
    %get3A_11 = arith.constant 0 : index
    %get3A_12 = arith.constant 0 : index
    %get3A_13 = arith.constant 0 : index
    %get3A_14 = vector.load %arg2[%get3A_11, %get3A_12, %get3A_13] : memref<2x1000x48xf32, #tpu.memory_space<vmem>>, vector<1x1000x40xf32>
    %get3A_15 = vector.shape_cast %get3A_14 : vector<1x1000x40xf32> to vector<1000x40xf32>
    %get3A_16 = arith.constant 1 : index
    %get3A_17 = arith.constant 0 : index
    %get3A_18 = arith.constant 0 : index
    %get3A_19 = vector.load %arg2[%get3A_16, %get3A_17, %get3A_18] : memref<2x1000x48xf32, #tpu.memory_space<vmem>>, vector<1x1000x40xf32>
    %get3A_20 = vector.shape_cast %get3A_19 : vector<1x1000x40xf32> to vector<1000x40xf32>
    %add3A_21 = arith.addf %get3A_15, %get3A_20 : vector<1000x40xf32>
    %div3A = vector.broadcast %max3A_10 : vector<1000x1xf32> to vector<1000x40xf32>
    %div3A_22 = arith.divf %add3A_21, %div3A : vector<1000x40xf32>
    %get3A_23 = arith.constant 0 : index
    %get3A_24 = arith.constant 0 : index
    %get3A_25 = vector.load %arg1[%get3A_23, %get3A_24] : memref<1000x40xf32, #tpu.memory_space<vmem>>, vector<1000x40xf32>
    %add3A_26 = arith.addf %get3A_25, %div3A_22 : vector<1000x40xf32>
    %get3A_27 = arith.constant 0 : index
    %get3A_28 = arith.constant 0 : index
    %get3A_29 = vector.load %arg4[%get3A_27, %get3A_28] : memref<1x40xf32, #tpu.memory_space<vmem>>, vector<1x40xf32>
    %add3A_30 = vector.broadcast %get3A_29 : vector<1x40xf32> to vector<1000x40xf32>
    %add3A_31 = arith.addf %add3A_26, %add3A_30 : vector<1000x40xf32>
    %swap3A = arith.constant 0 : index
    %swap3A_32 = arith.constant 0 : index
    %swap3A_33 = vector.load %arg5[%swap3A, %swap3A_32] : memref<1000x40xf32, #tpu.memory_space<vmem>>, vector<1000x40xf32>
    tpu.vector_store %arg5[%swap3A, %swap3A_32], %add3A_31 {strides = array<i32>} : memref<1000x40xf32, #tpu.memory_space<vmem>>, vector<1000x40xf32>,
    return
  }
  func.func @transform_0(%arg0: i32) -> (i32, i32) {
    %c0_i32 = arith.constant 0 : i32
    %c0_i32_0 = arith.constant 0 : i32
    return %arg0, %c0_i32 : i32, i32
  }
  func.func @transform_1(%arg0: i32) -> (i32, i32, i32) {
    %c0_i32 = arith.constant 0 : i32
    %c0_i32_0 = arith.constant 0 : i32
    %c0_i32_1 = arith.constant 0 : i32
    return %c0_i32, %arg0, %c0_i32_0 : i32, i32, i32
  }
  func.func @transform_2(%arg0: i32) -> (i32, i32, i32) {
    %c0_i32 = arith.constant 0 : i32
    %c0_i32_0 = arith.constant 0 : i32
    %c0_i32_1 = arith.constant 0 : i32
    return %c0_i32, %arg0, %c0_i32_0 : i32, i32, i32
  }
  func.func @transform_3(%arg0: i32) -> (i32, i32) {
    %c0_i32 = arith.constant 0 : i32
    %c0_i32_0 = arith.constant 0 : i32
    %c0_i32_1 = arith.constant 0 : i32
    return %c0_i32, %c0_i32_0 : i32, i32
  }
  func.func @transform_4(%arg0: i32) -> (i32, i32) {
    %c0_i32 = arith.constant 0 : i32
    %c0_i32_0 = arith.constant 0 : i32
    return %arg0, %c0_i32 : i32, i32
  }
}

</mosaic_0001>

<sc_bundles>
// kernel: kernel.10.cloned.1.call-start
scs
__scs_entry_jumppad:
0x0: {  	(pc) =	sbr.rel $0x88, $3  }
0x1: {  	(tag) =	ssettag $0x0;
	lr =	simm.s32 $0x1  }
0x2: {  	[smem:$0x3F99] =	sst lr;
	_ =	strace $0xD0000000  }
0x3: {  	_ = 	snop  }
0x4: {  	_ = 	snop  }
0x5: {  	_ = 	snop  }
0x6: {  	_ = 	snop  }
0x7: {  	_ = 	snop  }
__scs_overlays_trampoline_lowered:
0x8: {  	[smem:$0x3FA8] =	sst s0  }
0x9: {  	[smem:$0x3FA9] =	sst s1  }
0xa: {  	[smem:$0x3FAA] =	sst s2  }
0xb: {  	[smem:$0x3FAB] =	sst s3  }
0xc: {  	[smem:$0x3FAC] =	sst s4  }
0xd: {  	[smem:$0x3FAD] =	sst s5  }
0xe: {  	[smem:$0x3FAE] =	sst s6  }
0xf: {  	[smem:$0x3FAF] =	sst s7  }
0x10: {  	[smem:$0x3FB0] =	sst s8  }
0x11: {  	[smem:$0x3FB1] =	sst s9;
	s0 =	simm.s32 @!p0 $0x0  }
0x12: {  	s1 =	sld [smem:$0x3F97];
	s0 =	simm.s32 @p0 $0x1  }
0x13: {  	[smem:$0x3FB2] =	sst s0;
	s0 =	simm.s32 @!p1 $0x0  }
0x14: {  	s2 =	sld [smem:$0x3F96];
	s0 =	simm.s32 @p1 $0x1  }
0x15: {  	[smem:$0x3FB3] =	sst s0;
	s0 =	simm.s32 @!p2 $0x0  }
0x16: {  	s3 =	sld [smem:$0x3FDB];
	s0 =	simm.s32 @p2 $0x1  }
0x17: {  	s4 =	simm.s32 $0x1BF5;
	[smem:$0x3FB5] =	sst s0  }
0x18: {  	s0 =	sld [smem:$0x3F98];
	_ =	swait.ge [sflag:s4], $0x0  }
0x19: {  	s7 =	sld [smem:$0x3F99]  }
0x1a: {  	s8 =	sadd.s32 $0xFFFFE003, lr  }
0x1b: {  	s9 =	sadd.s32 $0xFFFFFEF7, lr;
	s5 =	simm.s32 $0xFFFFFFFF;
	p2 =	slt.u32 s8, $0xFFFFF086  }
0x1c: {  	p1 =	slt.u32 s9, $0xF7A;
	s5 =	simm.s32 @!p2 $0x0  }
0x1d: {  	s5 =	simm.s32 @p1 $0x1;
	p0 =	seq.s32 s7, s2  }
0x1e: {  	s7 =	smul.u32 @!p0 $0xF7A, s2;
	p2 =	seq.s32 @!p0 s5, $0x0  }
0x1f: {  	s9 =	smul.u32 $0xF7A, s1;
	s8 =	simm.s32 @!p0 $0x1BF5;
	p2 =	por !p2, p0  }
0x20: {  	[sflag:s8] =	ssyncset.s32 @!p0 $0xFFFFF086;
	s6 =	sadd.s32 @!p0 s3, s7;
	s7 =	simm.s32 @!p0 $0x108  }
0x21: {  	s3 =	sadd.s32 s3, s9;
	s6 =	sadd.s32 @!p0 $0x88, s6;
	s7 =	simm.s32 @p2 $0x1082  }
0x22: {  	[simem:s7], [sflag:s8] =	dma.local @!p0 [hbm:s6], $0xF7A  }
0x23: {  	s9 =	sor.u32 $0xD0000000, s2;
	s6 =	simm.s32 $0x108;
	_ =	swait.ge @!p0 [sflag:s8], $0x0  }
0x24: {  	s3 =	sadd.s32 $0x88, s3;
	s6 =	simm.s32 @!p1 $0x1082;
	[sflag:s4] =	ssyncset.s32 $0xFFFFF086  }
0x25: {  	[simem:s6], [sflag:s4] =	dma.local [hbm:s3], $0xF7A  }
0x26: {  	[smem:$0x3F99] =	sst s1;
	(tag) =	ssettag s2;
	_ =	strace s9  }
0x27: {  	s1 =	sld [smem:$0x3FA9]  }
0x28: {  	s2 =	sld [smem:$0x3FAA]  }
0x29: {  	s4 =	sld [smem:$0x3FAC]  }
0x2a: {  	p0 =	seq.s32 s5, $0x0;
	s5 =	sld [smem:$0x3FAD]  }
0x2b: {  	s6 =	sld [smem:$0x3FAE]  }
0x2c: {  	s7 =	sld [smem:$0x3FAF]  }
0x2d: {  	s3 =	simm.s32 $0x108;
	s8 =	sld [smem:$0x3FB0]  }
0x2e: {  	s3 =	simm.s32 @!p0 $0x1082;
	s9 =	sld [smem:$0x3FB1]  }
0x2f: {  	lr =	sadd.s32 s0, s3;
	s0 =	sld [smem:$0x3FA8]  }
0x30: {  	s3 =	sld [smem:$0x3FAB]  }
0x31: {  	[smem:$0x3FB4] =	sst s10  }
0x32: {  	s10 =	sld [smem:$0x3FB2];
	_ =	sdelay $0x3  }
0x33: {  	p0 =	seq.s32 s10, $0x1;
	s10 =	sld [smem:$0x3FB4];
	_ =	sdelay $0x3  }
0x34: {  	[smem:$0x3FB4] =	sst s10  }
0x35: {  	s10 =	sld [smem:$0x3FB3];
	_ =	sdelay $0x3  }
0x36: {  	p1 =	seq.s32 s10, $0x1;
	s10 =	sld [smem:$0x3FB4];
	_ =	sdelay $0x3  }
0x37: {  	[smem:$0x3FB4] =	sst s10  }
0x38: {  	s10 =	sld [smem:$0x3FB5]  }
0x39: {  	_ = 	snop;
	(pc) =	sbr.ind lr, $3  }
0x3a: {  	_ = 	snop  }
0x3b: {  	_ = 	snop  }
0x3c: {  	p2 =	seq.s32 s10, $0x1;
	s10 =	sld [smem:$0x3FB4]  }
0x3d: {  	_ =	shalt  }
0x3e: {  	_ =	shalt  }
0x3f: {  	_ =	shalt  }
0x40: {  	_ =	shalt  }
0x41: {  	_ =	shalt  }
0x42: {  	_ =	shalt  }
0x43: {  	_ =	shalt  }
0x44: {  	_ =	shalt  }
0x45: {  	_ =	shalt  }
0x46: {  	_ =	shalt  }
0x47: {  	_ =	shalt  }
0x48: {  	_ =	shalt  }
0x49: {  	_ =	shalt  }
0x4a: {  	_ =	shalt  }
0x4b: {  	_ =	shalt  }
0x4c: {  	_ =	shalt  }
0x4d: {  	_ =	shalt  }
0x4e: {  	_ =	shalt  }
0x4f: {  	_ =	shalt  }
0x50: {  	_ =	shalt  }
0x51: {  	_ =	shalt  }
0x52: {  	_ =	shalt  }
0x53: {  	_ =	shalt  }
0x54: {  	_ =	shalt  }
0x55: {  	_ =	shalt  }
0x56: {  	_ =	shalt  }
0x57: {  	_ =	shalt  }
0x58: {  	_ =	shalt  }
0x59: {  	_ =	shalt  }
0x5a: {  	_ =	shalt  }
0x5b: {  	_ =	shalt  }
0x5c: {  	_ =	shalt  }
0x5d: {  	_ =	shalt  }
0x5e: {  	_ =	shalt  }
0x5f: {  	_ =	shalt  }
0x60: {  	_ =	shalt  }
0x61: {  	_ =	shalt  }
0x62: {  	_ =	shalt  }
0x63: {  	_ =	shalt  }
0x64: {  	_ =	shalt  }
0x65: {  	_ =	shalt  }
0x66: {  	_ =	shalt  }
0x67: {  	_ =	shalt  }
0x68: {  	_ =	shalt  }
0x69: {  	_ =	shalt  }
0x6a: {  	_ =	shalt  }
0x6b: {  	_ =	shalt  }
0x6c: {  	_ =	shalt  }
0x6d: {  	_ =	shalt  }
0x6e: {  	_ =	shalt  }
0x6f: {  	_ =	shalt  }
0x70: {  	_ =	shalt  }
0x71: {  	_ =	shalt  }
0x72: {  	_ =	shalt  }
0x73: {  	_ =	shalt  }
0x74: {  	_ =	shalt  }
0x75: {  	_ =	shalt  }
0x76: {  	_ =	shalt  }
0x77: {  	_ =	shalt  }
0x78: {  	_ =	shalt  }
0x79: {  	_ =	shalt  }
0x7a: {  	_ =	shalt  }
0x7b: {  	_ =	shalt  }
0x7c: {  	_ =	shalt  }
0x7d: {  	_ =	shalt  }
0x7e: {  	_ =	shalt  }
0x7f: {  	_ =	shalt  }
0x80: {  	_ =	shalt  }
0x81: {  	_ =	shalt  }
0x82: {  	_ =	shalt  }
0x83: {  	_ =	shalt  }
0x84: {  	_ =	shalt  }
0x85: {  	_ =	shalt  }
0x86: {  	_ =	shalt  }
0x87: {  	_ =	shalt  }
.Lfunc_end0:
.L_simem_size_0:
called_computation.1_lowered:
.L_overlay_start_0:
0x88: {  	s2 =	sld [smem:$0x3FD9]  }
0x89: {  	s3 =	sld [smem:$0x3FFE];
	_ =	sdelay $0x1  }
0x8a: {  	s1 =	srdreg.scid  }
0x8b: {  	s0 =	sand.u32 $0x1, s1  }
0x8c: {  	s17 =	sshll.u32 s0, $0xA;
	s2 =	sadd.s32 s3, s2  }
0x8d: {  	s2 =	sadd.s32 s2, s17  }
0x8e: {  	[smem:$0x3FC0] =	sst s2  }
0x8f: {  	_ = 	snop  }
0x90: {  	s18 =	sld [smem:$0x3FC9]  }
0x91: {  	s4 =	sld [smem:$0x3FD0];
	(tm) =	ssettm $0x1  }
0x92: {  	s19 =	sld [smem:$0x3FFB];
	_ =	sdelay $0x3  }
0x93: {  	_ =	strace s19  }
0x94: {  	s2 =	sld [smem:$0x3FFC];
	_ =	sdelay $0x3  }
0x95: {  	_ =	strace s2  }
0x96: {  	s2 =	sld [smem:$0x3FFD];
	_ =	sdelay $0x3  }
0x97: {  	_ =	strace s2  }
0x98: {  	_ =	strace $0x8FFFFFFF  }
0x99: {  	s20 =	sld [smem:$0x3FDB];
	_ =	sdelay $0x1  }
0x9a: {  	s5 =	simm.s32 $_scs_section_size  }
0x9b: {  	s6 =	simm.s32 $_size__tile_overlayer_lowered;
	s7 =	simm.s32 $_tile_overlayer_lowered  }
0x9c: {  	s8 =	simm.s32 $0x1BFF;
	s21 =	sshll.u32 s7, $0x1;
	s5 =	sadd.s32 s5, s20  }
0x9d: {  	s22 =	simm.s32 $0x0;
	s6 =	sshll.u32 s6, $0x1;
	s7 =	sadd.s32 s21, s5  }
0x9e: {  	[timem:s22], [sflag:s8] =	dma.local [hbm:s7], s6  }
0x9f: {  	_ =	swait.ge [sflag:s8], s6  }
0xa0: {  	s6 =	ssub.s32 $0x0, s6;
	[sflag:s8] =	ssyncset.done $0x0  }
0xa1: {  	[sflag:s8] =	ssyncadd.s32 s6;
	_ =	sdelay $0x1  }
0xa2: {  	s23 =	simm.s32 $0x1B8B  }
0xa3: {  	_ =	swait.ge [sflag:s23], $0x1  }
0xa4: {  	[sflag:s23] =	ssyncset.done $0x0  }
0xa5: {  	[sflag:s23] =	ssyncadd.s32 $0xFFFFFFFF  }
0xa6: {  	s6 =	sld [smem:$0x0]  }
0xa7: {  	s7 =	sand.u32 $0xFFFFFFFE, s1  }
0xa8: {  	p0 =	sne.s32 s1, s7  }
0xa9: {  	s7 =	sshll.u32 @p0 s7, $0xE  }
0xaa: {  	s7 =	sadd.s32 @p0 $0x11B8D, s7;
	s8 =	sshll.u32 @p0 s6, $0x11  }
0xab: {  	s7 =	sor.u32 @p0 s8, s7  }
0xac: {  	[sflag:s7] =	ssyncadd.remote.s32 @p0 $0x1;
	_ =	sdelay $0x1  }
0xad: {  	s7 =	simm.s32 @p0 $0x1B8D  }
0xae: {  	_ =	swait.eq @p0 [sflag:s7], $0x1  }
0xaf: {  	[sflag:s7] =	ssyncadd.s32 @p0 $0xFFFFFFFF  }
0xb0: {  	s8 =	sshll.u32 @!p0 s1, $0xE  }
0xb1: {  	s8 =	sor.u32 @!p0 $0x4000, s8;
	s7 =	simm.s32 @!p0 $0x1B8D  }
0xb2: {  	s6 =	sshll.u32 @!p0 s6, $0x11;
	s8 =	sadd.s32 @!p0 $0x11B8D, s8;
	_ =	swait.eq @!p0 [sflag:s7], $0x1  }
0xb3: {  	s6 =	sor.u32 @!p0 s6, s8;
	[sflag:s7] =	ssyncadd.s32 @!p0 $0xFFFFFFFF  }
0xb4: {  	s25 =	simm.s32 $0x1B8E;
	s24 =	sld [smem:$0x3FFE];
	[sflag:s6] =	ssyncadd.remote.s32 @!p0 $0x1  }
0xb5: {  	s26 =	simm.s32 $execute0_lowered;
	[smem:$0x3FD2] =	sst s25  }
0xb6: {  	s7 =	sshll.u32 s26, $0x1;
	_ =	strace $0x80000049;
	[dreg:$0x1] =	wrdreg $0xFFFFFFFF  }
0xb7: {  	s28 =	simm.s32 $_size_execute0_lowered;
	s5 =	sadd.s32 s5, s7;
	[dreg:$0x0] =	wrdreg $0x0  }
0xb8: {  	s7 =	sshll.u32 s28, $0x1;
	[dreg:$0x2] =	wrdreg s5  }
0xb9: {  	[dreg:$0x3] =	wrdreg s7  }
0xba: {  	[dreg:$0x4] =	wrdreg $0xC0  }
0xbb: {  	_ =	task [dreg:s22], $0x5FFFF  }
0xbc: {  	[dreg:$0x1] =	wrdreg $0xFFFFFFFF  }
0xbd: {  	[dreg:$0x0] =	wrdreg $0x60  }
0xbe: {  	[dreg:$0x2] =	wrdreg s18  }
0xbf: {  	[dreg:$0x3] =	wrdreg s4  }
0xc0: {  	[dreg:$0x4] =	wrdreg s24  }
0xc1: {  	[dreg:$0x5] =	wrdreg $0x8E800  }
0xc2: {  	[dreg:$0x6] =	wrdreg $0xA  }
0xc3: {  	_ =	task.clear_ibuf [dreg:s22], $0x7FFFF;
	_ =	strace $0x90000049  }
0xc4: {  	s29 =	simm.s32 $0xA;
	_ =	strace $0x8000004B  }
0xc5: {  	_ =	swait.ge [sflag:s29], $0x1  }
0xc6: {  	[sflag:s29] =	ssyncadd.s32 $0xFFFFFFFF  }
0xc7: {  	_ =	strace $0x9000004B  }
0xc8: {  	_ =	sfence  }
0xc9: {  	s30 =	sld [smem:$0x0];
	_ =	sdelay $0x2  }
0xca: {  	s31 =	sshll.u32 s1, $0xD;
	s1 =	sshrl.u32 s1, $0x2  }
0xcb: {  	s4 =	sand.u32 $0x4000, s31;
	s1 =	sadd.s32 s1, s30  }
0xcc: {  	s0 =	sor.u32 s4, s0;
	s1 =	sshll.u32 s1, $0x11  }
0xcd: {  	s0 =	sor.u32 s1, s0  }
0xce: {  	s0 =	sadd.s32 $0x8F2B, s0  }
0xcf: {  	[sflag:s0] =	ssyncadd.remote.s32 $0x1  }
0xd0: {  	_ =	sfence.sel $0xFFFF  }
0xd1: {  	[dreg:$0x0] =	wrdreg $0xFFFFFFFF;
	(pc) =	sbr.abs _section_cstart, $3  }
0xd2: {  	[dreg:$0x1] =	wrdreg $0xFFFFFFFF  }
0xd3: {  	_ =	task.clear_ibuf [dreg:s22], $0x2FFFF;
	_ =	strace $0x9FFFFFFF  }
0xd4: {  	(tm) =	ssettm $0x7FFFFFFF  }
0xd5: {  	_ =	shalt  }
tec
execute0_lowered:
.L_overlay_start_1:
0x0: {  	(tag) =	ssettag $0x1  }
0x1: {  	s0 =	rddreg [dreg:$0x0]  }
0x2: {  	s7 =	rddreg [dreg:$0x1]  }
0x3: {  	s6 =	rddreg [dreg:$0x2]  }
0x4: {  	s1 =	srdreg.scid;
	s3 =	rddreg [dreg:$0x3]  }
0x5: {  	s4 =	simm.s32 $0x0;
	s5 =	sand.u32 $0x1, s1;
	s1 =	stileid.u32  }
0x6: {  	[smem:$0x7FF] =	sst s4;
	s2 =	sshll.u32 s5, $0x4;
	s9 =	smul.u32 $0x14000, s1  }
0x7: {  	s10 =	smul.u32 $0x28000, s5;
	s5 =	ssub.s32 $0x2, s5;
	s31 =	sshll.u32 s1, $0x6  }
0x8: {  	s8 =	sor.u32 s1, s2;
	s2 =	rddreg [dreg:$0x4];
	_ =	strace $0x8000004A  }
0x9: {  	s12 =	sshrl.u32 s5, $0x1;
	s8 =	smul.u32 $0x500, s8;
	s15 =	sshrl.u32 s9, $0x3  }
0xa: {  	s10 =	sadd.s32 s10, s6;
	s12 =	ssub.s32 s5, s12;
	s14 =	sadd.s32 s9, s3  }
0xb: {  	s13 =	sadd.s32 s15, s6;
	s16 =	sadd.s32 $0x42C00, s10;
	s9 =	smax.u32 s12, $0x1  }
0xc: {  	s10 =	sshrl.u32 s14, $0x3;
	s12 =	simm.s32 $0x2800;
	s14 =	simm.s32 $0x5000  }
0xd: {  	s11 =	sadd.s32 s8, s6;
	s5 =	sadd.s32 $0x1AC00, s13;
	s6 =	sor.u32 $0x1C01, s31  }
0xe: {  	s7 =	sadd.s32 s7, s8;
	s13 =	simm.s32 $0x7D;
	s15 =	sadd.s32 s15, s16  }
0xf: {  	s16 =	simm.s32 $0x0;
	s8 =	sadd.s32 $0x1A00, s11;
	s11 =	simm.s32 $0x1  }
.LBB2_1:
0x10: {  	[spmem:s10], [sflag:s6] =	dma.local [hbm:s5], $0x2800  }
0x11: {  	_ =	swait.ge [sflag:s11], $0x2800  }
0x12: {  	[sflag:s11] =	ssyncset.done $0x0  }
0x13: {  	[sflag:s11] =	ssyncadd.s32 $0xFFFFD800  }
0x14: {  	[tilespmem:s4], [sflag:$0x1] =	stream.linear.gather [hbm4b:s7+s4], $0x2800, $0x38;
	[tilespmem:$0x1CE80] =	vst v63  }
0x15: {  	_ =	swait.ge [sflag:s11], $0x2800  }
0x16: {  	[sflag:s11] =	ssyncset.done $0x0  }
0x17: {  	[sflag:s11] =	ssyncadd.s32 $0xFFFFD800  }
0x18: {  	[tilespmem:s12], [sflag:$0x1] =	stream.linear.gather [hbm4b:s8+s4], $0x2800, $0x38;
	[tilespmem:$0x1CE80] =	vst v63  }
0x19: {  	_ =	swait.ge [sflag:s11], $0x2800  }
0x1a: {  	[sflag:s11] =	ssyncset.done $0x0  }
0x1b: {  	[sflag:s11] =	ssyncadd.s32 $0xFFFFD800  }
0x1c: {  	s17 =	simm.s32 $0x0;
	[bflag:$0x0] =	sbarrier.arrive $0xFFFF  }
0x1d: {  	[tilespmem:s14], [sflag:$0x1] =	stream.indirect.gather [hbm4b:s0+s13], $0x80, s17, s13, $0xb8;
	[tilespmem:$0x1CE80] =	vst v63  }
0x1e: {  	_ =	swait.ge [sflag:s11], $0x3E80  }
0x1f: {  	[sflag:s11] =	ssyncset.done $0x0  }
0x20: {  	s31 =	simm.s32 $0x2800;
	[sflag:s11] =	ssyncadd.s32 $0xFFFFC180  }
0x21: {  	[spmem:s3] =	stream.indirect.scatter.add.f32 [tilespmem:s14], [sflag:$0x1], $0x80, s31, s13, $0xb8;
	[tilespmem:$0x1CE80] =	vst v63  }
0x22: {  	_ =	swait.ge [sflag:s11], $0x3E80  }
0x23: {  	s18 =	simm.s32 $0x400;
	s17 =	simm.s32 $0x200;
	[sflag:s11] =	ssyncset.done $0x0  }
.LBB2_2:
0x24: {  	s19 =	sshra.s32 s17, $0x2  }
0x25: {  	[sflag:s11] =	ssyncadd.s32 $0xFFFFC180;
	s17 =	smov.u32 s18;
	s20 =	sadd.s32 $0x200, s18  }
0x26: {  	[tilespmem:s14], [sflag:$0x1] =	stream.indirect.gather [hbm4b:s0+s13], $0x80, s19, s13, $0xb8;
	[tilespmem:$0x1CE80] =	vst v63  }
0x27: {  	p0 =	sne.s32 s18, $0x9E00;
	_ =	swait.ge [sflag:s11], $0x3E80  }
.Ltmp0:
0x28: {  	[sflag:s11] =	ssyncset.done $0x0;
	(pc) =	sbr.rel @p0 .LBB2_2-.Ltmp0, $4  }
0x29: {  	s18 =	sadd.s32 $0x2800, s19;
	[sflag:s11] =	ssyncadd.s32 $0xFFFFC180  }
0x2a: {  	[spmem:s3] =	stream.indirect.scatter.add.f32 [tilespmem:s14], [sflag:$0x1], $0x80, s18, s13, $0xb8;
	[tilespmem:$0x1CE80] =	vst v63  }
0x2b: {  	_ =	swait.ge [sflag:s11], $0x3E80  }
0x2c: {  	s18 =	smov.u32 s20;
	[sflag:s11] =	ssyncset.done $0x0  }
0x2d: {  	s17 =	sshra.s32 s17, $0x2;
	[sflag:s11] =	ssyncadd.s32 $0xFFFFC180  }
0x2e: {  	[tilespmem:s14], [sflag:$0x1] =	stream.indirect.gather [hbm4b:s0+s13], $0x80, s17, s13, $0xb8;
	[tilespmem:$0x1CE80] =	vst v63  }
0x2f: {  	_ =	swait.ge [sflag:s11], $0x3E80  }
0x30: {  	[sflag:s11] =	ssyncset.done $0x0  }
0x31: {  	s17 =	sadd.s32 $0x2800, s17;
	[sflag:s11] =	ssyncadd.s32 $0xFFFFC180  }
0x32: {  	[spmem:s3] =	stream.indirect.scatter.add.f32 [tilespmem:s14], [sflag:$0x1], $0x80, s17, s13, $0xb8;
	[tilespmem:$0x1CE80] =	vst v63  }
0x33: {  	_ =	swait.ge [sflag:s11], $0x3E80  }
0x34: {  	s16 =	sadd.s32 $0x1, s16;
	[sflag:s11] =	ssyncset.done $0x0  }
0x35: {  	p0 =	sne.s32 s16, s9;
	[sflag:s11] =	ssyncadd.s32 $0xFFFFC180  }
.Ltmp1:
0x36: {  	[bflag:$0x0] =	sbarrier.arrive $0xFFFF;
	(pc) =	sbr.rel @p0 .LBB2_1-.Ltmp1, $4  }
0x37: {  	[hbm:s15], [sflag:s6] =	dma.local [spmem:s10], $0x2800  }
0x38: {  	_ =	swait.ge [sflag:s11], $0x2800  }
0x39: {  	[sflag:s11] =	ssyncset.done $0x0  }
0x3a: {  	[sflag:s11] =	ssyncadd.s32 $0xFFFFD800  }
0x3b: {  	_ =	sfence.sel $0x180000  }
0x3c: {  	[bflag:$0x0] =	sbarrier.arrive $0xFFFF  }
0x3d: {  	p0 =	sne.s32 s1, $0x0;
	_ =	strace $0x9000004A  }
0x3e: {  	s0 =	sadd.s32 @!p0 $0x100000, s2;
	[bflag:$0x2] =	sbarrier.arrive $0xFFFF  }
0x3f: {  	[sflag:s0] =	ssyncadd.tile.s32 @!p0 $0x1;
	_ =	shalt  }
.Lfunc_end2:
_tile_overlayer_lowered:
.L_overlay_start_2:
0x40: {  	(tag) =	ssettag $0x2  }
0x41: {  	s0 =	rddreg [dreg:$0x0];
	s2 =	stileid.u32  }
0x42: {  	s1 =	rddreg [dreg:$0x1];
	p0 =	sne.s32 s2, $0x0  }
0x43: {  	s3 =	rddreg [dreg:$0x2];
	[bflag:$0x3] =	sbarrier.arrive $0xFFFF;
	s2 =	simm.s32 @!p0 $0x1C01  }
0x44: {  	[timem:s3], [sflag:s2] =	dma.local @!p0 [hbm:s0], s1  }
0x45: {  	s0 =	simm.s32 @!p0 $0x1  }
0x46: {  	_ =	swait.ge @!p0 [sflag:s0], s1  }
0x47: {  	s1 =	ssub.s32 @!p0 $0x0, s1;
	[sflag:s0] =	ssyncset.done @!p0 $0x0  }
0x48: {  	[sflag:s0] =	ssyncadd.s32 @!p0 s1  }
0x49: {  	[bflag:$0x3] =	sbarrier.arrive $0xFFFF  }
0x4a: {  	_ =	shalt  }

// kernel: kernel.13.cloned.1.call-start
scs
__scs_entry_jumppad:
0x0: {  	(pc) =	sbr.rel $0x88, $3  }
0x1: {  	(tag) =	ssettag $0x0;
	lr =	simm.s32 $0x1  }
0x2: {  	[smem:$0x3F99] =	sst lr;
	_ =	strace $0xD0000000  }
0x3: {  	_ = 	snop  }
0x4: {  	_ = 	snop  }
0x5: {  	_ = 	snop  }
0x6: {  	_ = 	snop  }
0x7: {  	_ = 	snop  }
__scs_overlays_trampoline_lowered:
0x8: {  	[smem:$0x3FA8] =	sst s0  }
0x9: {  	[smem:$0x3FA9] =	sst s1  }
0xa: {  	[smem:$0x3FAA] =	sst s2  }
0xb: {  	[smem:$0x3FAB] =	sst s3  }
0xc: {  	[smem:$0x3FAC] =	sst s4  }
0xd: {  	[smem:$0x3FAD] =	sst s5  }
0xe: {  	[smem:$0x3FAE] =	sst s6  }
0xf: {  	[smem:$0x3FAF] =	sst s7  }
0x10: {  	[smem:$0x3FB0] =	sst s8  }
0x11: {  	[smem:$0x3FB1] =	sst s9;
	s0 =	simm.s32 @!p0 $0x0  }
0x12: {  	s1 =	sld [smem:$0x3F97];
	s0 =	simm.s32 @p0 $0x1  }
0x13: {  	[smem:$0x3FB2] =	sst s0;
	s0 =	simm.s32 @!p1 $0x0  }
0x14: {  	s2 =	sld [smem:$0x3F96];
	s0 =	simm.s32 @p1 $0x1  }
0x15: {  	[smem:$0x3FB3] =	sst s0;
	s0 =	simm.s32 @!p2 $0x0  }
0x16: {  	s3 =	sld [smem:$0x3FDB];
	s0 =	simm.s32 @p2 $0x1  }
0x17: {  	s4 =	simm.s32 $0x1BF5;
	[smem:$0x3FB5] =	sst s0  }
0x18: {  	s0 =	sld [smem:$0x3F98];
	_ =	swait.ge [sflag:s4], $0x0  }
0x19: {  	s7 =	sld [smem:$0x3F99]  }
0x1a: {  	s8 =	sadd.s32 $0xFFFFE003, lr  }
0x1b: {  	s9 =	sadd.s32 $0xFFFFFEF7, lr;
	s5 =	simm.s32 $0xFFFFFFFF;
	p2 =	slt.u32 s8, $0xFFFFF086  }
0x1c: {  	p1 =	slt.u32 s9, $0xF7A;
	s5 =	simm.s32 @!p2 $0x0  }
0x1d: {  	s5 =	simm.s32 @p1 $0x1;
	p0 =	seq.s32 s7, s2  }
0x1e: {  	s7 =	smul.u32 @!p0 $0xF7A, s2;
	p2 =	seq.s32 @!p0 s5, $0x0  }
0x1f: {  	s9 =	smul.u32 $0xF7A, s1;
	s8 =	simm.s32 @!p0 $0x1BF5;
	p2 =	por !p2, p0  }
0x20: {  	[sflag:s8] =	ssyncset.s32 @!p0 $0xFFFFF086;
	s6 =	sadd.s32 @!p0 s3, s7;
	s7 =	simm.s32 @!p0 $0x108  }
0x21: {  	s3 =	sadd.s32 s3, s9;
	s6 =	sadd.s32 @!p0 $0x88, s6;
	s7 =	simm.s32 @p2 $0x1082  }
0x22: {  	[simem:s7], [sflag:s8] =	dma.local @!p0 [hbm:s6], $0xF7A  }
0x23: {  	s9 =	sor.u32 $0xD0000000, s2;
	s6 =	simm.s32 $0x108;
	_ =	swait.ge @!p0 [sflag:s8], $0x0  }
0x24: {  	s3 =	sadd.s32 $0x88, s3;
	s6 =	simm.s32 @!p1 $0x1082;
	[sflag:s4] =	ssyncset.s32 $0xFFFFF086  }
0x25: {  	[simem:s6], [sflag:s4] =	dma.local [hbm:s3], $0xF7A  }
0x26: {  	[smem:$0x3F99] =	sst s1;
	(tag) =	ssettag s2;
	_ =	strace s9  }
0x27: {  	s1 =	sld [smem:$0x3FA9]  }
0x28: {  	s2 =	sld [smem:$0x3FAA]  }
0x29: {  	s4 =	sld [smem:$0x3FAC]  }
0x2a: {  	p0 =	seq.s32 s5, $0x0;
	s5 =	sld [smem:$0x3FAD]  }
0x2b: {  	s6 =	sld [smem:$0x3FAE]  }
0x2c: {  	s7 =	sld [smem:$0x3FAF]  }
0x2d: {  	s3 =	simm.s32 $0x108;
	s8 =	sld [smem:$0x3FB0]  }
0x2e: {  	s3 =	simm.s32 @!p0 $0x1082;
	s9 =	sld [smem:$0x3FB1]  }
0x2f: {  	lr =	sadd.s32 s0, s3;
	s0 =	sld [smem:$0x3FA8]  }
0x30: {  	s3 =	sld [smem:$0x3FAB]  }
0x31: {  	[smem:$0x3FB4] =	sst s10  }
0x32: {  	s10 =	sld [smem:$0x3FB2];
	_ =	sdelay $0x3  }
0x33: {  	p0 =	seq.s32 s10, $0x1;
	s10 =	sld [smem:$0x3FB4];
	_ =	sdelay $0x3  }
0x34: {  	[smem:$0x3FB4] =	sst s10  }
0x35: {  	s10 =	sld [smem:$0x3FB3];
	_ =	sdelay $0x3  }
0x36: {  	p1 =	seq.s32 s10, $0x1;
	s10 =	sld [smem:$0x3FB4];
	_ =	sdelay $0x3  }
0x37: {  	[smem:$0x3FB4] =	sst s10  }
0x38: {  	s10 =	sld [smem:$0x3FB5]  }
0x39: {  	_ = 	snop;
	(pc) =	sbr.ind lr, $3  }
0x3a: {  	_ = 	snop  }
0x3b: {  	_ = 	snop  }
0x3c: {  	p2 =	seq.s32 s10, $0x1;
	s10 =	sld [smem:$0x3FB4]  }
0x3d: {  	_ =	shalt  }
0x3e: {  	_ =	shalt  }
0x3f: {  	_ =	shalt  }
0x40: {  	_ =	shalt  }
0x41: {  	_ =	shalt  }
0x42: {  	_ =	shalt  }
0x43: {  	_ =	shalt  }
0x44: {  	_ =	shalt  }
0x45: {  	_ =	shalt  }
0x46: {  	_ =	shalt  }
0x47: {  	_ =	shalt  }
0x48: {  	_ =	shalt  }
0x49: {  	_ =	shalt  }
0x4a: {  	_ =	shalt  }
0x4b: {  	_ =	shalt  }
0x4c: {  	_ =	shalt  }
0x4d: {  	_ =	shalt  }
0x4e: {  	_ =	shalt  }
0x4f: {  	_ =	shalt  }
0x50: {  	_ =	shalt  }
0x51: {  	_ =	shalt  }
0x52: {  	_ =	shalt  }
0x53: {  	_ =	shalt  }
0x54: {  	_ =	shalt  }
0x55: {  	_ =	shalt  }
0x56: {  	_ =	shalt  }
0x57: {  	_ =	shalt  }
0x58: {  	_ =	shalt  }
0x59: {  	_ =	shalt  }
0x5a: {  	_ =	shalt  }
0x5b: {  	_ =	shalt  }
0x5c: {  	_ =	shalt  }
0x5d: {  	_ =	shalt  }
0x5e: {  	_ =	shalt  }
0x5f: {  	_ =	shalt  }
0x60: {  	_ =	shalt  }
0x61: {  	_ =	shalt  }
0x62: {  	_ =	shalt  }
0x63: {  	_ =	shalt  }
0x64: {  	_ =	shalt  }
0x65: {  	_ =	shalt  }
0x66: {  	_ =	shalt  }
0x67: {  	_ =	shalt  }
0x68: {  	_ =	shalt  }
0x69: {  	_ =	shalt  }
0x6a: {  	_ =	shalt  }
0x6b: {  	_ =	shalt  }
0x6c: {  	_ =	shalt  }
0x6d: {  	_ =	shalt  }
0x6e: {  	_ =	shalt  }
0x6f: {  	_ =	shalt  }
0x70: {  	_ =	shalt  }
0x71: {  	_ =	shalt  }
0x72: {  	_ =	shalt  }
0x73: {  	_ =	shalt  }
0x74: {  	_ =	shalt  }
0x75: {  	_ =	shalt  }
0x76: {  	_ =	shalt  }
0x77: {  	_ =	shalt  }
0x78: {  	_ =	shalt  }
0x79: {  	_ =	shalt  }
0x7a: {  	_ =	shalt  }
0x7b: {  	_ =	shalt  }
0x7c: {  	_ =	shalt  }
0x7d: {  	_ =	shalt  }
0x7e: {  	_ =	shalt  }
0x7f: {  	_ =	shalt  }
0x80: {  	_ =	shalt  }
0x81: {  	_ =	shalt  }
0x82: {  	_ =	shalt  }
0x83: {  	_ =	shalt  }
0x84: {  	_ =	shalt  }
0x85: {  	_ =	shalt  }
0x86: {  	_ =	shalt  }
0x87: {  	_ =	shalt  }
.Lfunc_end0:
.L_simem_size_0:
called_computation.2_lowered:
.L_overlay_start_0:
0x88: {  	s2 =	sld [smem:$0x3FD9]  }
0x89: {  	s3 =	sld [smem:$0x3FFE];
	_ =	sdelay $0x1  }
0x8a: {  	s1 =	srdreg.scid  }
0x8b: {  	s0 =	sand.u32 $0x1, s1  }
0x8c: {  	s17 =	sshll.u32 s0, $0xA;
	s2 =	sadd.s32 s3, s2  }
0x8d: {  	s2 =	sadd.s32 s2, s17  }
0x8e: {  	[smem:$0x3FC0] =	sst s2  }
0x8f: {  	_ = 	snop  }
0x90: {  	s2 =	sld [smem:$0x3FD0];
	(tm) =	ssettm $0x1  }
0x91: {  	s18 =	sld [smem:$0x3FFB];
	_ =	sdelay $0x3  }
0x92: {  	_ =	strace s18  }
0x93: {  	s3 =	sld [smem:$0x3FFC];
	_ =	sdelay $0x3  }
0x94: {  	_ =	strace s3  }
0x95: {  	s3 =	sld [smem:$0x3FFD];
	_ =	sdelay $0x3  }
0x96: {  	_ =	strace s3  }
0x97: {  	_ =	strace $0x8FFFFFFF  }
0x98: {  	s19 =	sld [smem:$0x3FDB];
	_ =	sdelay $0x1  }
0x99: {  	s4 =	simm.s32 $_scs_section_size  }
0x9a: {  	s5 =	simm.s32 $_size__tile_overlayer_lowered;
	s6 =	simm.s32 $_tile_overlayer_lowered  }
0x9b: {  	s22 =	simm.s32 $0x1BFF;
	s21 =	sshll.u32 s6, $0x1;
	s3 =	sadd.s32 s4, s19  }
0x9c: {  	s7 =	simm.s32 $0x0;
	s20 =	sshll.u32 s5, $0x1;
	s5 =	sadd.s32 s21, s3  }
0x9d: {  	[timem:s7], [sflag:s22] =	dma.local [hbm:s5], s20  }
0x9e: {  	_ =	swait.ge [sflag:s22], s20  }
0x9f: {  	s4 =	ssub.s32 $0x0, s20;
	[sflag:s22] =	ssyncset.done $0x0  }
0xa0: {  	[sflag:s22] =	ssyncadd.s32 s4;
	_ =	sdelay $0x1  }
0xa1: {  	s23 =	simm.s32 $0x1B8B  }
0xa2: {  	_ =	swait.ge [sflag:s23], $0x1  }
0xa3: {  	[sflag:s23] =	ssyncset.done $0x0  }
0xa4: {  	s25 =	simm.s32 $0x1B8E;
	s24 =	sld [smem:$0x3FFE];
	[sflag:s23] =	ssyncadd.s32 $0xFFFFFFFF  }
0xa5: {  	s26 =	simm.s32 $execute0_lowered;
	[smem:$0x3FD2] =	sst s25  }
0xa6: {  	s5 =	sshll.u32 s26, $0x1;
	_ =	strace $0x8000004C;
	[dreg:$0x1] =	wrdreg $0xFFFFFFFF  }
0xa7: {  	s28 =	simm.s32 $_size_execute0_lowered;
	s3 =	sadd.s32 s3, s5;
	[dreg:$0x0] =	wrdreg $0x0  }
0xa8: {  	s5 =	sshll.u32 s28, $0x1;
	[dreg:$0x2] =	wrdreg s3  }
0xa9: {  	[dreg:$0x3] =	wrdreg s5  }
0xaa: {  	[dreg:$0x4] =	wrdreg $0xC0  }
0xab: {  	_ =	task [dreg:s7], $0x5FFFF  }
0xac: {  	[dreg:$0x1] =	wrdreg $0xFFFFFFFF  }
0xad: {  	[dreg:$0x0] =	wrdreg $0x60  }
0xae: {  	[dreg:$0x2] =	wrdreg s24  }
0xaf: {  	[dreg:$0x3] =	wrdreg s2  }
0xb0: {  	[dreg:$0x4] =	wrdreg $0x67700  }
0xb1: {  	[dreg:$0x5] =	wrdreg $0x9  }
0xb2: {  	_ =	task.clear_ibuf [dreg:s7], $0x6FFFF;
	_ =	strace $0x9000004C  }
0xb3: {  	s29 =	simm.s32 $0x9;
	_ =	strace $0x8000004E  }
0xb4: {  	_ =	swait.ge [sflag:s29], $0x1  }
0xb5: {  	[sflag:s29] =	ssyncadd.s32 $0xFFFFFFFF  }
0xb6: {  	_ =	strace $0x9000004E  }
0xb7: {  	_ =	sfence  }
0xb8: {  	s30 =	sld [smem:$0x0];
	_ =	sdelay $0x2  }
0xb9: {  	s31 =	sshll.u32 s1, $0xD;
	s1 =	sshrl.u32 s1, $0x2  }
0xba: {  	s3 =	sand.u32 $0x4000, s31;
	s1 =	sadd.s32 s1, s30  }
0xbb: {  	s0 =	sor.u32 s3, s0;
	s1 =	sshll.u32 s1, $0x11  }
0xbc: {  	s0 =	sor.u32 s1, s0  }
0xbd: {  	s0 =	sadd.s32 $0x8F2B, s0  }
0xbe: {  	[sflag:s0] =	ssyncadd.remote.s32 $0x1  }
0xbf: {  	_ =	sfence.sel $0xFFFF  }
0xc0: {  	[dreg:$0x0] =	wrdreg $0xFFFFFFFF;
	(pc) =	sbr.abs _section_cstart, $3  }
0xc1: {  	[dreg:$0x1] =	wrdreg $0xFFFFFFFF  }
0xc2: {  	_ =	task.clear_ibuf [dreg:s7], $0x2FFFF;
	_ =	strace $0x9FFFFFFF  }
0xc3: {  	(tm) =	ssettm $0x7FFFFFFF  }
tec
execute0_lowered:
.L_overlay_start_1:
0x0: {  	(tag) =	ssettag $0x1  }
0x1: {  	s5 =	rddreg [dreg:$0x0]  }
0x2: {  	s0 =	srdreg.scid;
	s7 =	rddreg [dreg:$0x1]  }
0x3: {  	s2 =	rddreg [dreg:$0x2];
	s1 =	stileid.u32  }
0x4: {  	s3 =	simm.s32 $0x0;
	s6 =	sand.u32 $0x1, s0;
	s0 =	rddreg [dreg:$0x3]  }
0x5: {  	[smem:$0x7FF] =	sst s3;
	s9 =	smul.u32 $0x7800, s1;
	s31 =	sshll.u32 s1, $0x6  }
0x6: {  	s4 =	sshll.u32 s6, $0x4;
	_ =	strace $0x8000004D;
	s10 =	smul.u32 $0xF000, s6  }
0x7: {  	s6 =	ssub.s32 $0x2, s6;
	s4 =	sor.u32 s1, s4;
	s15 =	sshrl.u32 s9, $0x3  }
0x8: {  	s12 =	sshrl.u32 s6, $0x1;
	s14 =	sadd.s32 s9, s2;
	s8 =	smul.u32 $0x500, s4  }
0x9: {  	s4 =	sadd.s32 $0xBA00, s5;
	s13 =	sadd.s32 s15, s5;
	s10 =	sadd.s32 s10, s5  }
0xa: {  	s12 =	ssub.s32 s6, s12;
	s6 =	sor.u32 $0x1C01, s31;
	s16 =	sadd.s32 $0x29600, s10  }
0xb: {  	s9 =	smax.u32 s12, $0x1;
	s10 =	sshrl.u32 s14, $0x3;
	s12 =	simm.s32 $0x2800  }
0xc: {  	s14 =	simm.s32 $0x5000;
	s11 =	sadd.s32 s8, s5;
	s5 =	sadd.s32 $0x1A600, s13  }
0xd: {  	s7 =	sadd.s32 s7, s8;
	s13 =	simm.s32 $0x7D;
	s15 =	sadd.s32 s15, s16  }
0xe: {  	s16 =	simm.s32 $0x0;
	s8 =	sadd.s32 $0x1A00, s11;
	s11 =	simm.s32 $0x1  }
.LBB2_1:
0xf: {  	[spmem:s10], [sflag:s6] =	dma.local [hbm:s5], $0xF00  }
0x10: {  	_ =	swait.ge [sflag:s11], $0xF00  }
0x11: {  	[sflag:s11] =	ssyncset.done $0x0  }
0x12: {  	[sflag:s11] =	ssyncadd.s32 $0xFFFFF100  }
0x13: {  	[tilespmem:s3], [sflag:$0x1] =	stream.linear.gather [hbm4b:s7+s3], $0x2800, $0x38;
	[tilespmem:$0xDF70] =	vst v63  }
0x14: {  	_ =	swait.ge [sflag:s11], $0x2800  }
0x15: {  	[sflag:s11] =	ssyncset.done $0x0  }
0x16: {  	[sflag:s11] =	ssyncadd.s32 $0xFFFFD800  }
0x17: {  	[tilespmem:s12], [sflag:$0x1] =	stream.linear.gather [hbm4b:s8+s3], $0x2800, $0x38;
	[tilespmem:$0xDF70] =	vst v63  }
0x18: {  	_ =	swait.ge [sflag:s11], $0x2800  }
0x19: {  	[sflag:s11] =	ssyncset.done $0x0  }
0x1a: {  	[sflag:s11] =	ssyncadd.s32 $0xFFFFD800  }
0x1b: {  	s17 =	simm.s32 $0x0;
	[bflag:$0x0] =	sbarrier.arrive $0xFFFF  }
0x1c: {  	[tilespmem:s14], [sflag:$0x1] =	stream.indirect.gather [hbm4b:s4+s13], $0x30, s17, s13, $0xb8;
	[tilespmem:$0xDF70] =	vst v63  }
0x1d: {  	_ =	swait.ge [sflag:s11], $0x1770  }
0x1e: {  	[sflag:s11] =	ssyncset.done $0x0  }
0x1f: {  	s31 =	simm.s32 $0x2800;
	[sflag:s11] =	ssyncadd.s32 $0xFFFFE890  }
0x20: {  	[spmem:s2] =	stream.indirect.scatter.add.f32 [tilespmem:s14], [sflag:$0x1], $0x30, s31, s13, $0xb8;
	[tilespmem:$0xDF70] =	vst v63  }
0x21: {  	_ =	swait.ge [sflag:s11], $0x1770  }
0x22: {  	s18 =	simm.s32 $0x400;
	s17 =	simm.s32 $0x200;
	[sflag:s11] =	ssyncset.done $0x0  }
.LBB2_2:
0x23: {  	s19 =	sshra.s32 s17, $0x2  }
0x24: {  	[sflag:s11] =	ssyncadd.s32 $0xFFFFE890;
	s17 =	smov.u32 s18;
	s20 =	sadd.s32 $0x200, s18  }
0x25: {  	[tilespmem:s14], [sflag:$0x1] =	stream.indirect.gather [hbm4b:s4+s13], $0x30, s19, s13, $0xb8;
	[tilespmem:$0xDF70] =	vst v63  }
0x26: {  	p0 =	sne.s32 s18, $0x9E00;
	_ =	swait.ge [sflag:s11], $0x1770  }
.Ltmp0:
0x27: {  	[sflag:s11] =	ssyncset.done $0x0;
	(pc) =	sbr.rel @p0 .LBB2_2-.Ltmp0, $4  }
0x28: {  	s18 =	sadd.s32 $0x2800, s19;
	[sflag:s11] =	ssyncadd.s32 $0xFFFFE890  }
0x29: {  	[spmem:s2] =	stream.indirect.scatter.add.f32 [tilespmem:s14], [sflag:$0x1], $0x30, s18, s13, $0xb8;
	[tilespmem:$0xDF70] =	vst v63  }
0x2a: {  	_ =	swait.ge [sflag:s11], $0x1770  }
0x2b: {  	s18 =	smov.u32 s20;
	[sflag:s11] =	ssyncset.done $0x0  }
0x2c: {  	s17 =	sshra.s32 s17, $0x2;
	[sflag:s11] =	ssyncadd.s32 $0xFFFFE890  }
0x2d: {  	[tilespmem:s14], [sflag:$0x1] =	stream.indirect.gather [hbm4b:s4+s13], $0x30, s17, s13, $0xb8;
	[tilespmem:$0xDF70] =	vst v63  }
0x2e: {  	_ =	swait.ge [sflag:s11], $0x1770  }
0x2f: {  	[sflag:s11] =	ssyncset.done $0x0  }
0x30: {  	s17 =	sadd.s32 $0x2800, s17;
	[sflag:s11] =	ssyncadd.s32 $0xFFFFE890  }
0x31: {  	[spmem:s2] =	stream.indirect.scatter.add.f32 [tilespmem:s14], [sflag:$0x1], $0x30, s17, s13, $0xb8;
	[tilespmem:$0xDF70] =	vst v63  }
0x32: {  	_ =	swait.ge [sflag:s11], $0x1770  }
0x33: {  	s16 =	sadd.s32 $0x1, s16;
	[sflag:s11] =	ssyncset.done $0x0  }
0x34: {  	p0 =	sne.s32 s16, s9;
	[sflag:s11] =	ssyncadd.s32 $0xFFFFE890  }
.Ltmp1:
0x35: {  	[bflag:$0x0] =	sbarrier.arrive $0xFFFF;
	(pc) =	sbr.rel @p0 .LBB2_1-.Ltmp1, $4  }
0x36: {  	[hbm:s15], [sflag:s6] =	dma.local [spmem:s10], $0xF00  }
0x37: {  	_ =	swait.ge [sflag:s11], $0xF00  }
0x38: {  	[sflag:s11] =	ssyncset.done $0x0  }
0x39: {  	[sflag:s11] =	ssyncadd.s32 $0xFFFFF100  }
0x3a: {  	_ =	sfence.sel $0x180000  }
0x3b: {  	[bflag:$0x0] =	sbarrier.arrive $0xFFFF  }
0x3c: {  	p0 =	sne.s32 s1, $0x0;
	_ =	strace $0x9000004D  }
0x3d: {  	s0 =	sadd.s32 @!p0 $0x100000, s0;
	[bflag:$0x2] =	sbarrier.arrive $0xFFFF  }
0x3e: {  	[sflag:s0] =	ssyncadd.tile.s32 @!p0 $0x1;
	_ =	shalt  }
.Lfunc_end2:
_tile_overlayer_lowered:
.L_overlay_start_2:
0x3f: {  	(tag) =	ssettag $0x2  }
0x40: {  	s0 =	rddreg [dreg:$0x0];
	s2 =	stileid.u32  }
0x41: {  	s1 =	rddreg [dreg:$0x1];
	p0 =	sne.s32 s2, $0x0  }
0x42: {  	s3 =	rddreg [dreg:$0x2];
	[bflag:$0x3] =	sbarrier.arrive $0xFFFF;
	s2 =	simm.s32 @!p0 $0x1C01  }
0x43: {  	[timem:s3], [sflag:s2] =	dma.local @!p0 [hbm:s0], s1  }
0x44: {  	s0 =	simm.s32 @!p0 $0x1  }
0x45: {  	_ =	swait.ge @!p0 [sflag:s0], s1  }
0x46: {  	s1 =	ssub.s32 @!p0 $0x0, s1;
	[sflag:s0] =	ssyncset.done @!p0 $0x0  }
0x47: {  	[sflag:s0] =	ssyncadd.s32 @!p0 s1  }
0x48: {  	[bflag:$0x3] =	sbarrier.arrive $0xFFFF  }
0x49: {  	_ =	shalt  }

// kernel: kernel.7.cloned.1.call-start
scs
__scs_entry_jumppad:
0x0: {  	(pc) =	sbr.rel $0x88, $3  }
0x1: {  	(tag) =	ssettag $0x0;
	lr =	simm.s32 $0x1  }
0x2: {  	[smem:$0x3F99] =	sst lr;
	_ =	strace $0xD0000000  }
0x3: {  	_ = 	snop  }
0x4: {  	_ = 	snop  }
0x5: {  	_ = 	snop  }
0x6: {  	_ = 	snop  }
0x7: {  	_ = 	snop  }
__scs_overlays_trampoline_lowered:
0x8: {  	[smem:$0x3FA8] =	sst s0  }
0x9: {  	[smem:$0x3FA9] =	sst s1  }
0xa: {  	[smem:$0x3FAA] =	sst s2  }
0xb: {  	[smem:$0x3FAB] =	sst s3  }
0xc: {  	[smem:$0x3FAC] =	sst s4  }
0xd: {  	[smem:$0x3FAD] =	sst s5  }
0xe: {  	[smem:$0x3FAE] =	sst s6  }
0xf: {  	[smem:$0x3FAF] =	sst s7  }
0x10: {  	[smem:$0x3FB0] =	sst s8  }
0x11: {  	[smem:$0x3FB1] =	sst s9;
	s0 =	simm.s32 @!p0 $0x0  }
0x12: {  	s1 =	sld [smem:$0x3F97];
	s0 =	simm.s32 @p0 $0x1  }
0x13: {  	[smem:$0x3FB2] =	sst s0;
	s0 =	simm.s32 @!p1 $0x0  }
0x14: {  	s2 =	sld [smem:$0x3F96];
	s0 =	simm.s32 @p1 $0x1  }
0x15: {  	[smem:$0x3FB3] =	sst s0;
	s0 =	simm.s32 @!p2 $0x0  }
0x16: {  	s3 =	sld [smem:$0x3FDB];
	s0 =	simm.s32 @p2 $0x1  }
0x17: {  	s4 =	simm.s32 $0x1BF5;
	[smem:$0x3FB5] =	sst s0  }
0x18: {  	s0 =	sld [smem:$0x3F98];
	_ =	swait.ge [sflag:s4], $0x0  }
0x19: {  	s7 =	sld [smem:$0x3F99]  }
0x1a: {  	s8 =	sadd.s32 $0xFFFFE003, lr  }
0x1b: {  	s9 =	sadd.s32 $0xFFFFFEF7, lr;
	s5 =	simm.s32 $0xFFFFFFFF;
	p2 =	slt.u32 s8, $0xFFFFF086  }
0x1c: {  	p1 =	slt.u32 s9, $0xF7A;
	s5 =	simm.s32 @!p2 $0x0  }
0x1d: {  	s5 =	simm.s32 @p1 $0x1;
	p0 =	seq.s32 s7, s2  }
0x1e: {  	s7 =	smul.u32 @!p0 $0xF7A, s2;
	p2 =	seq.s32 @!p0 s5, $0x0  }
0x1f: {  	s9 =	smul.u32 $0xF7A, s1;
	s8 =	simm.s32 @!p0 $0x1BF5;
	p2 =	por !p2, p0  }
0x20: {  	[sflag:s8] =	ssyncset.s32 @!p0 $0xFFFFF086;
	s6 =	sadd.s32 @!p0 s3, s7;
	s7 =	simm.s32 @!p0 $0x108  }
0x21: {  	s3 =	sadd.s32 s3, s9;
	s6 =	sadd.s32 @!p0 $0x88, s6;
	s7 =	simm.s32 @p2 $0x1082  }
0x22: {  	[simem:s7], [sflag:s8] =	dma.local @!p0 [hbm:s6], $0xF7A  }
0x23: {  	s9 =	sor.u32 $0xD0000000, s2;
	s6 =	simm.s32 $0x108;
	_ =	swait.ge @!p0 [sflag:s8], $0x0  }
0x24: {  	s3 =	sadd.s32 $0x88, s3;
	s6 =	simm.s32 @!p1 $0x1082;
	[sflag:s4] =	ssyncset.s32 $0xFFFFF086  }
0x25: {  	[simem:s6], [sflag:s4] =	dma.local [hbm:s3], $0xF7A  }
0x26: {  	[smem:$0x3F99] =	sst s1;
	(tag) =	ssettag s2;
	_ =	strace s9  }
0x27: {  	s1 =	sld [smem:$0x3FA9]  }
0x28: {  	s2 =	sld [smem:$0x3FAA]  }
0x29: {  	s4 =	sld [smem:$0x3FAC]  }
0x2a: {  	p0 =	seq.s32 s5, $0x0;
	s5 =	sld [smem:$0x3FAD]  }
0x2b: {  	s6 =	sld [smem:$0x3FAE]  }
0x2c: {  	s7 =	sld [smem:$0x3FAF]  }
0x2d: {  	s3 =	simm.s32 $0x108;
	s8 =	sld [smem:$0x3FB0]  }
0x2e: {  	s3 =	simm.s32 @!p0 $0x1082;
	s9 =	sld [smem:$0x3FB1]  }
0x2f: {  	lr =	sadd.s32 s0, s3;
	s0 =	sld [smem:$0x3FA8]  }
0x30: {  	s3 =	sld [smem:$0x3FAB]  }
0x31: {  	[smem:$0x3FB4] =	sst s10  }
0x32: {  	s10 =	sld [smem:$0x3FB2];
	_ =	sdelay $0x3  }
0x33: {  	p0 =	seq.s32 s10, $0x1;
	s10 =	sld [smem:$0x3FB4];
	_ =	sdelay $0x3  }
0x34: {  	[smem:$0x3FB4] =	sst s10  }
0x35: {  	s10 =	sld [smem:$0x3FB3];
	_ =	sdelay $0x3  }
0x36: {  	p1 =	seq.s32 s10, $0x1;
	s10 =	sld [smem:$0x3FB4];
	_ =	sdelay $0x3  }
0x37: {  	[smem:$0x3FB4] =	sst s10  }
0x38: {  	s10 =	sld [smem:$0x3FB5]  }
0x39: {  	_ = 	snop;
	(pc) =	sbr.ind lr, $3  }
0x3a: {  	_ = 	snop  }
0x3b: {  	_ = 	snop  }
0x3c: {  	p2 =	seq.s32 s10, $0x1;
	s10 =	sld [smem:$0x3FB4]  }
0x3d: {  	_ =	shalt  }
0x3e: {  	_ =	shalt  }
0x3f: {  	_ =	shalt  }
0x40: {  	_ =	shalt  }
0x41: {  	_ =	shalt  }
0x42: {  	_ =	shalt  }
0x43: {  	_ =	shalt  }
0x44: {  	_ =	shalt  }
0x45: {  	_ =	shalt  }
0x46: {  	_ =	shalt  }
0x47: {  	_ =	shalt  }
0x48: {  	_ =	shalt  }
0x49: {  	_ =	shalt  }
0x4a: {  	_ =	shalt  }
0x4b: {  	_ =	shalt  }
0x4c: {  	_ =	shalt  }
0x4d: {  	_ =	shalt  }
0x4e: {  	_ =	shalt  }
0x4f: {  	_ =	shalt  }
0x50: {  	_ =	shalt  }
0x51: {  	_ =	shalt  }
0x52: {  	_ =	shalt  }
0x53: {  	_ =	shalt  }
0x54: {  	_ =	shalt  }
0x55: {  	_ =	shalt  }
0x56: {  	_ =	shalt  }
0x57: {  	_ =	shalt  }
0x58: {  	_ =	shalt  }
0x59: {  	_ =	shalt  }
0x5a: {  	_ =	shalt  }
0x5b: {  	_ =	shalt  }
0x5c: {  	_ =	shalt  }
0x5d: {  	_ =	shalt  }
0x5e: {  	_ =	shalt  }
0x5f: {  	_ =	shalt  }
0x60: {  	_ =	shalt  }
0x61: {  	_ =	shalt  }
0x62: {  	_ =	shalt  }
0x63: {  	_ =	shalt  }
0x64: {  	_ =	shalt  }
0x65: {  	_ =	shalt  }
0x66: {  	_ =	shalt  }
0x67: {  	_ =	shalt  }
0x68: {  	_ =	shalt  }
0x69: {  	_ =	shalt  }
0x6a: {  	_ =	shalt  }
0x6b: {  	_ =	shalt  }
0x6c: {  	_ =	shalt  }
0x6d: {  	_ =	shalt  }
0x6e: {  	_ =	shalt  }
0x6f: {  	_ =	shalt  }
0x70: {  	_ =	shalt  }
0x71: {  	_ =	shalt  }
0x72: {  	_ =	shalt  }
0x73: {  	_ =	shalt  }
0x74: {  	_ =	shalt  }
0x75: {  	_ =	shalt  }
0x76: {  	_ =	shalt  }
0x77: {  	_ =	shalt  }
0x78: {  	_ =	shalt  }
0x79: {  	_ =	shalt  }
0x7a: {  	_ =	shalt  }
0x7b: {  	_ =	shalt  }
0x7c: {  	_ =	shalt  }
0x7d: {  	_ =	shalt  }
0x7e: {  	_ =	shalt  }
0x7f: {  	_ =	shalt  }
0x80: {  	_ =	shalt  }
0x81: {  	_ =	shalt  }
0x82: {  	_ =	shalt  }
0x83: {  	_ =	shalt  }
0x84: {  	_ =	shalt  }
0x85: {  	_ =	shalt  }
0x86: {  	_ =	shalt  }
0x87: {  	_ =	shalt  }
.Lfunc_end0:
.L_simem_size_0:
called_computation_lowered:
.L_overlay_start_0:
0x88: {  	s2 =	sld [smem:$0x3FD9]  }
0x89: {  	s3 =	sld [smem:$0x3FFE];
	_ =	sdelay $0x1  }
0x8a: {  	s1 =	srdreg.scid  }
0x8b: {  	s0 =	sand.u32 $0x1, s1  }
0x8c: {  	s16 =	sshll.u32 s0, $0xA;
	s2 =	sadd.s32 s3, s2  }
0x8d: {  	s2 =	sadd.s32 s2, s16  }
0x8e: {  	[smem:$0x3FC0] =	sst s2  }
0x8f: {  	_ = 	snop  }
0x90: {  	(tm) =	ssettm $0x1  }
0x91: {  	s17 =	sld [smem:$0x3FFB];
	_ =	sdelay $0x3  }
0x92: {  	_ =	strace s17  }
0x93: {  	s2 =	sld [smem:$0x3FFC];
	_ =	sdelay $0x3  }
0x94: {  	_ =	strace s2  }
0x95: {  	s2 =	sld [smem:$0x3FFD];
	_ =	sdelay $0x3  }
0x96: {  	_ =	strace s2  }
0x97: {  	_ =	strace $0x8FFFFFFF  }
0x98: {  	s18 =	sld [smem:$0x3FDB];
	_ =	sdelay $0x1  }
0x99: {  	s19 =	simm.s32 $_scs_section_size  }
0x9a: {  	s4 =	simm.s32 $_size__tile_overlayer_lowered;
	s5 =	simm.s32 $_tile_overlayer_lowered  }
0x9b: {  	s22 =	simm.s32 $0x1BFF;
	s21 =	sshll.u32 s5, $0x1;
	s2 =	sadd.s32 s19, s18  }
0x9c: {  	s6 =	simm.s32 $0x0;
	s20 =	sshll.u32 s4, $0x1;
	s4 =	sadd.s32 s21, s2  }
0x9d: {  	[timem:s6], [sflag:s22] =	dma.local [hbm:s4], s20  }
0x9e: {  	_ =	swait.ge [sflag:s22], s20  }
0x9f: {  	s3 =	ssub.s32 $0x0, s20;
	[sflag:s22] =	ssyncset.done $0x0  }
0xa0: {  	[sflag:s22] =	ssyncadd.s32 s3;
	_ =	sdelay $0x1  }
0xa1: {  	s23 =	simm.s32 $0x1B8B  }
0xa2: {  	_ =	swait.ge [sflag:s23], $0x1  }
0xa3: {  	[sflag:s23] =	ssyncset.done $0x0  }
0xa4: {  	s25 =	simm.s32 $0x1B8E;
	s24 =	sld [smem:$0x3FFE];
	[sflag:s23] =	ssyncadd.s32 $0xFFFFFFFF  }
0xa5: {  	s26 =	simm.s32 $execute0_lowered;
	[smem:$0x3FD2] =	sst s25  }
0xa6: {  	s4 =	sshll.u32 s26, $0x1;
	_ =	strace $0x80000046;
	[dreg:$0x1] =	wrdreg $0xFFFFFFFF  }
0xa7: {  	s28 =	simm.s32 $_size_execute0_lowered;
	s2 =	sadd.s32 s2, s4;
	[dreg:$0x0] =	wrdreg $0x0  }
0xa8: {  	s4 =	sshll.u32 s28, $0x1;
	[dreg:$0x2] =	wrdreg s2  }
0xa9: {  	[dreg:$0x3] =	wrdreg s4  }
0xaa: {  	[dreg:$0x4] =	wrdreg $0xC0  }
0xab: {  	_ =	task [dreg:s6], $0x5FFFF  }
0xac: {  	[dreg:$0x1] =	wrdreg $0xFFFFFFFF  }
0xad: {  	[dreg:$0x0] =	wrdreg $0x60  }
0xae: {  	[dreg:$0x2] =	wrdreg s24  }
0xaf: {  	[dreg:$0x3] =	wrdreg $0x2FD00  }
0xb0: {  	[dreg:$0x4] =	wrdreg $0x9  }
0xb1: {  	_ =	task.clear_ibuf [dreg:s6], $0x5FFFF;
	_ =	strace $0x90000046  }
0xb2: {  	s29 =	simm.s32 $0x9;
	_ =	strace $0x80000048  }
0xb3: {  	_ =	swait.ge [sflag:s29], $0x1  }
0xb4: {  	[sflag:s29] =	ssyncadd.s32 $0xFFFFFFFF  }
0xb5: {  	_ =	strace $0x90000048  }
0xb6: {  	_ =	sfence  }
0xb7: {  	s30 =	sld [smem:$0x0];
	_ =	sdelay $0x2  }
0xb8: {  	s31 =	sshll.u32 s1, $0xD;
	s1 =	sshrl.u32 s1, $0x2  }
0xb9: {  	s3 =	sand.u32 $0x4000, s31;
	s1 =	sadd.s32 s1, s30  }
0xba: {  	s0 =	sor.u32 s3, s0;
	s1 =	sshll.u32 s1, $0x11  }
0xbb: {  	s0 =	sor.u32 s1, s0  }
0xbc: {  	s0 =	sadd.s32 $0x8F2B, s0  }
0xbd: {  	[sflag:s0] =	ssyncadd.remote.s32 $0x1  }
0xbe: {  	_ =	sfence.sel $0xFFFF  }
0xbf: {  	[dreg:$0x0] =	wrdreg $0xFFFFFFFF;
	(pc) =	sbr.abs _section_cstart, $3  }
0xc0: {  	[dreg:$0x1] =	wrdreg $0xFFFFFFFF  }
0xc1: {  	_ =	task.clear_ibuf [dreg:s6], $0x2FFFF;
	_ =	strace $0x9FFFFFFF  }
0xc2: {  	(tm) =	ssettm $0x7FFFFFFF  }
0xc3: {  	_ =	shalt  }
tec
execute0_lowered:
.L_overlay_start_1:
0x0: {  	(tag) =	ssettag $0x1  }
0x1: {  	s5 =	rddreg [dreg:$0x0]  }
0x2: {  	s0 =	srdreg.scid;
	s2 =	rddreg [dreg:$0x1]  }
0x3: {  	s3 =	simm.s32 $0x0;
	s4 =	sand.u32 $0x1, s0;
	s0 =	stileid.u32  }
0x4: {  	[smem:$0x7FF] =	sst s3;
	s7 =	smul.u32 $0x2800, s0  }
0x5: {  	s1 =	sshll.u32 s4, $0x4;
	s29 =	smul.u32 $0x5000, s4;
	s9 =	ssub.s32 $0x2, s4  }
0x6: {  	s4 =	sadd.s32 $0x10A00, s5;
	s30 =	sshll.u32 s0, $0x6;
	s6 =	sor.u32 s0, s1  }
0x7: {  	s1 =	rddreg [dreg:$0x2];
	_ =	strace $0x80000047;
	s11 =	sshrl.u32 s9, $0x1  }
0x8: {  	s6 =	smul.u32 $0x500, s6;
	s13 =	sshrl.u32 s7, $0x3;
	s12 =	sadd.s32 s29, s5  }
0x9: {  	s9 =	ssub.s32 s9, s11;
	s31 =	sadd.s32 s7, s2;
	s11 =	simm.s32 $0x2800  }
0xa: {  	s10 =	sadd.s32 s13, s5;
	s14 =	sadd.s32 $0x10C00, s12;
	s12 =	simm.s32 $0x7D  }
0xb: {  	s8 =	sadd.s32 s6, s5;
	s5 =	sadd.s32 $0xBA00, s10;
	s6 =	sor.u32 $0x1C01, s30  }
0xc: {  	s10 =	simm.s32 $0x1;
	s13 =	sadd.s32 s13, s14;
	s14 =	simm.s32 $0x0  }
0xd: {  	s7 =	sadd.s32 $0x1A00, s8;
	s8 =	smax.u32 s9, $0x1;
	s9 =	sshrl.u32 s31, $0x3  }
.LBB2_1:
0xe: {  	[spmem:s9], [sflag:s6] =	dma.local [hbm:s5], $0x500  }
0xf: {  	_ =	swait.ge [sflag:s10], $0x500  }
0x10: {  	[sflag:s10] =	ssyncset.done $0x0  }
0x11: {  	[sflag:s10] =	ssyncadd.s32 $0xFFFFFB00  }
0x12: {  	[tilespmem:s11], [sflag:$0x1] =	stream.linear.gather [hbm4b:s4+s3], $0x7D0, $0x38;
	[tilespmem:$0x57D0] =	vst v63  }
0x13: {  	_ =	swait.ge [sflag:s10], $0x7D0  }
0x14: {  	[sflag:s10] =	ssyncset.done $0x0  }
0x15: {  	[sflag:s10] =	ssyncadd.s32 $0xFFFFF830  }
0x16: {  	[tilespmem:s3], [sflag:$0x1] =	stream.linear.gather [hbm4b:s7+s3], $0x2800, $0x38;
	[tilespmem:$0x57D0] =	vst v63  }
0x17: {  	_ =	swait.ge [sflag:s10], $0x2800  }
0x18: {  	[sflag:s10] =	ssyncset.done $0x0  }
0x19: {  	[sflag:s10] =	ssyncadd.s32 $0xFFFFD800  }
0x1a: {  	s15 =	simm.s32 $0x0;
	[bflag:$0x0] =	sbarrier.arrive $0xFFFF  }
0x1b: {  	[spmem:s2] =	stream.indirect.scatter.add.f32 [tilespmem:s11], [sflag:$0x1], $0x10, s15, s12, $0xb8;
	[tilespmem:$0x57D0] =	vst v63  }
0x1c: {  	_ =	swait.ge [sflag:s10], $0x7D0  }
0x1d: {  	s15 =	simm.s32 $0x200;
	[sflag:s10] =	ssyncset.done $0x0  }
.LBB2_2:
0x1e: {  	s16 =	sshra.s32 s15, $0x2;
	[sflag:s10] =	ssyncadd.s32 $0xFFFFF830;
	p0 =	sne.s32 s15, $0x9E00  }
0x1f: {  	[spmem:s2] =	stream.indirect.scatter.add.f32 [tilespmem:s11], [sflag:$0x1], $0x10, s16, s12, $0xb8;
	[tilespmem:$0x57D0] =	vst v63  }
.Ltmp0:
0x20: {  	_ = 	snop;
	(pc) =	sbr.rel @p0 .LBB2_2-.Ltmp0, $4  }
0x21: {  	_ = 	snop  }
0x22: {  	s15 =	sadd.s32 $0x200, s15  }
0x23: {  	_ =	swait.ge [sflag:s10], $0x7D0  }
0x24: {  	[sflag:s10] =	ssyncset.done $0x0  }
0x25: {  	s14 =	sadd.s32 $0x1, s14  }
0x26: {  	[sflag:s10] =	ssyncadd.s32 $0xFFFFF830;
	p0 =	sne.s32 s14, s8  }
.Ltmp1:
0x27: {  	[bflag:$0x0] =	sbarrier.arrive $0xFFFF;
	(pc) =	sbr.rel @p0 .LBB2_1-.Ltmp1, $4  }
0x28: {  	[hbm:s13], [sflag:s6] =	dma.local [spmem:s9], $0x500  }
0x29: {  	_ =	swait.ge [sflag:s10], $0x500  }
0x2a: {  	[sflag:s10] =	ssyncset.done $0x0  }
0x2b: {  	[sflag:s10] =	ssyncadd.s32 $0xFFFFFB00  }
0x2c: {  	_ =	sfence.sel $0x180000  }
0x2d: {  	[bflag:$0x0] =	sbarrier.arrive $0xFFFF  }
0x2e: {  	p0 =	sne.s32 s0, $0x0;
	_ =	strace $0x90000047  }
0x2f: {  	s0 =	sadd.s32 @!p0 $0x100000, s1;
	[bflag:$0x2] =	sbarrier.arrive $0xFFFF  }
0x30: {  	[sflag:s0] =	ssyncadd.tile.s32 @!p0 $0x1;
	_ =	shalt  }
.Lfunc_end2:
_tile_overlayer_lowered:
.L_overlay_start_2:
0x31: {  	(tag) =	ssettag $0x2  }
0x32: {  	s0 =	rddreg [dreg:$0x0];
	s2 =	stileid.u32  }
0x33: {  	s1 =	rddreg [dreg:$0x1];
	p0 =	sne.s32 s2, $0x0  }
0x34: {  	s3 =	rddreg [dreg:$0x2];
	[bflag:$0x3] =	sbarrier.arrive $0xFFFF;
	s2 =	simm.s32 @!p0 $0x1C01  }
0x35: {  	[timem:s3], [sflag:s2] =	dma.local @!p0 [hbm:s0], s1  }
0x36: {  	s0 =	simm.s32 @!p0 $0x1  }
0x37: {  	_ =	swait.ge @!p0 [sflag:s0], s1  }
0x38: {  	s1 =	ssub.s32 @!p0 $0x0, s1;
	[sflag:s0] =	ssyncset.done @!p0 $0x0  }
0x39: {  	[sflag:s0] =	ssyncadd.s32 @!p0 s1  }
0x3a: {  	[bflag:$0x3] =	sbarrier.arrive $0xFFFF  }
0x3b: {  	_ =	shalt  }

</sc_bundles>
